<compile_context>
chip_gen: v7x
topology: tpu7x:2x2x1
jax: 0.10.2.dev20260603
libtpu: 0.0.44.dev20260713+nightly
codegen_flags: <defaults>
</compile_context>

<pallas_src>
import functools
import math

import jax
import jax.numpy as jnp
from jax import lax
from jax.experimental import pallas as pl
from jax.experimental.pallas import tpu as pltpu
from jax.experimental.pallas import tpu_sc as plsc

D_EMBED = 128
SCALE = math.sqrt(float(D_EMBED))
CHUNK = 128
LANES = 16
NBUF = 5


@functools.lru_cache(maxsize=None)
def _build(seq, batch):
    info = plsc.get_sparse_core_info()
    NC, NS = info.num_cores, info.num_subcores
    NW = NC * NS
    assert batch % (NW * CHUNK) == 0 and seq % NBUF == 0
    n_outer = seq // NBUF
    mesh = plsc.VectorSubcoreMesh(core_axis_name="c", subcore_axis_name="s")

    @functools.partial(
        pl.kernel,
        mesh=mesh,
        out_type=jax.ShapeDtypeStruct((seq, batch, D_EMBED), jnp.float32),
        scratch_types=(
            [
                pltpu.VMEM((seq, CHUNK), jnp.int32),
                pltpu.VMEM((NBUF, CHUNK, D_EMBED), jnp.float32),
            ]
            + [pltpu.SemaphoreType.DMA] * (2 * NBUF)
        ),
    )
    def gather_scale(xt_hbm, table_hbm, out_hbm, idx_all, rows_v, *sems):
        gsem = sems[:NBUF]
        wsem = sems[NBUF:]
        cid = lax.axis_index("c")
        sid = lax.axis_index("s")
        wid = sid * NC + cid
        col0 = wid * CHUNK

        pltpu.sync_copy(xt_hbm.at[pl.ds(0, seq), pl.ds(col0, CHUNK)], idx_all)

        def issue_gather(s, b):
            pltpu.async_copy(table_hbm.at[idx_all.at[s]], rows_v.at[b], gsem[b])

        def wait_gather(b):
            pltpu.make_async_copy(
                table_hbm.at[idx_all.at[0]], rows_v.at[b], gsem[b]
            ).wait()

        def issue_write(s, b):
            pltpu.async_copy(
                rows_v.at[b], out_hbm.at[s, pl.ds(col0, CHUNK)], wsem[b]
            )

        def wait_write(b):
            pltpu.make_async_copy(
                rows_v.at[b], out_hbm.at[0, pl.ds(col0, CHUNK)], wsem[b]
            ).wait()

        def scale(b):
            def row_body(r, c):
                def j_body(j, c2):
                    sl = pl.ds(j * LANES, LANES)
                    rows_v[b, r, sl] = rows_v[b, r, sl] * SCALE
                    return c2

                return lax.fori_loop(0, D_EMBED // LANES, j_body, c)

            lax.fori_loop(0, CHUNK, row_body, 0)

        for b in range(NBUF):
            issue_gather(b, b)

        def outer(g, c):
            for b in range(NBUF):
                wait_gather(b)
                scale(b)
                issue_write(g * NBUF + b, b)
            for b in range(NBUF):
                wait_write(b)

                @pl.when(g < n_outer - 1)
                def _():
                    issue_gather((g + 1) * NBUF + b, b)

            return c

        lax.fori_loop(0, n_outer, outer, 0)

    return gather_scale


def kernel(x, table):
    batch, seq = x.shape
    xt = x.T.astype(jnp.int32)
    o = _build(seq, batch)(xt, table)
    return o.transpose(1, 0, 2)

# --- scband reference (transcript-rebuilt; emitter-appended) ---
"""Pipeline reference for scband-token-embedding-27805618274907 (READ-ONLY COPY).

The authoritative reference and input builder live on the scoring server;
editing this copy changes nothing except your own understanding.
"""

import jax, jax.numpy as jnp
import numpy as np
import math

D_EMBED = 128
VOCAB = 100000

def setup_inputs(seed: int = 0) -> dict:
    key = jax.random.key(seed)
    k1, k2 = jax.random.split(key)
    x = jax.random.randint(k1, (4096, 50), 0, VOCAB, dtype=jnp.int64 if jax.config.jax_enable_x64 else jnp.int32)
    table = jax.random.normal(k2, (VOCAB, D_EMBED), dtype=jnp.float32)
    return {"x": x, "table": table}

def reference(x, table):
    # nn.Embedding lookup followed by scaling by sqrt(d_embed)
    out = jnp.take(table, x, axis=0) * math.sqrt(D_EMBED)
    return out

if __name__ == "__main__":
    import jax
    _d = setup_inputs()
    print(jax.jit(kernel)(*tuple(_d.values())))

</pallas_src>

<mosaic_0001>
#map = affine_map<(d0, d1) -> (0, 0)>
#map1 = affine_map<(d0, d1) -> (0, 0, 0)>
module attributes {stable_mosaic.version = 14 : i64} {
  func.func @gather_scale(%arg0: i32, %arg1: i32, %arg2: memref<50x4096xi32, #tpu.memory_space<hbm>>, %arg3: memref<100000x128xf32, #tpu.memory_space<hbm>>, %arg4: memref<50x4096x128xf32, #tpu.memory_space<hbm>>, %arg5: memref<50x128xi32, #tpu.memory_space<vmem>>, %arg6: memref<5x128x128xf32, #tpu.memory_space<vmem>>, %arg7: memref<!tpu.dma_semaphore, #tpu.memory_space<semaphore_mem>>, %arg8: memref<!tpu.dma_semaphore, #tpu.memory_space<semaphore_mem>>, %arg9: memref<!tpu.dma_semaphore, #tpu.memory_space<semaphore_mem>>, %arg10: memref<!tpu.dma_semaphore, #tpu.memory_space<semaphore_mem>>, %arg11: memref<!tpu.dma_semaphore, #tpu.memory_space<semaphore_mem>>, %arg12: memref<!tpu.dma_semaphore, #tpu.memory_space<semaphore_mem>>, %arg13: memref<!tpu.dma_semaphore, #tpu.memory_space<semaphore_mem>>, %arg14: memref<!tpu.dma_semaphore, #tpu.memory_space<semaphore_mem>>, %arg15: memref<!tpu.dma_semaphore, #tpu.memory_space<semaphore_mem>>, %arg16: memref<!tpu.dma_semaphore, #tpu.memory_space<semaphore_mem>>) attributes {dimension_semantics = [#tpu.dimension_semantics<core_parallel>, #tpu.dimension_semantics<subcore_parallel>], iteration_bounds = array<i64: 2, 16>, scalar_prefetch = 0 : i64, scratch_operands = 12 : i64, tpu.core_type = #tpu.core_type<sc_vector_subcore>, window_params = [{transform_indices = #map}, {transform_indices = #map}, {transform_indices = #map1}]} {
    %mul3A = arith.constant 2 : i32
    %mul3A_0 = arith.muli %arg1, %mul3A : i32
    %add3A = arith.addi %mul3A_0, %arg0 : i32
    %mul3A_1 = arith.constant 128 : i32
    %mul3A_2 = arith.muli %add3A, %mul3A_1 : i32
    "tpu.region"() ({
      %run_scoped3A = tpu.sem_alloc : memref<!tpu.dma_semaphore, #tpu.memory_space<semaphore_mem>>
      %dma_start3A_67 = arith.constant 0 : i32
      %dma_start3A_68 = tpu.memref_slice %arg2[%dma_start3A_67, %mul3A_2] : memref<50x4096xi32, #tpu.memory_space<hbm>> -> memref<50x128xi32, #tpu.memory_space<hbm>>
      %dma_start3A_69 = arith.constant 0 : i32
      %dma_start3A_70 = tpu.memref_slice %arg2[%dma_start3A_69, %mul3A_2] : memref<50x4096xi32, #tpu.memory_space<hbm>> -> memref<50x128xi32, #tpu.memory_space<hbm>>
      tpu.enqueue_dma source(%dma_start3A_70 : memref<50x128xi32, #tpu.memory_space<hbm>>) target(%arg5 : memref<50x128xi32, #tpu.memory_space<vmem>>) target_semaphore(%run_scoped3A : memref<!tpu.dma_semaphore, #tpu.memory_space<semaphore_mem>>)
      %dma_wait3A = arith.constant 0 : i32
      %dma_wait3A_71 = tpu.memref_slice %arg2[%dma_wait3A, %mul3A_2] : memref<50x4096xi32, #tpu.memory_space<hbm>> -> memref<50x128xi32, #tpu.memory_space<hbm>>
      %dma_wait3A_72 = arith.constant 0 : i32
      %dma_wait3A_73 = tpu.memref_slice %arg2[%dma_wait3A_72, %mul3A_2] : memref<50x4096xi32, #tpu.memory_space<hbm>> -> memref<50x128xi32, #tpu.memory_space<hbm>>
      tpu.wait_dma2 semaphore(%run_scoped3A : memref<!tpu.dma_semaphore, #tpu.memory_space<semaphore_mem>>) src(%dma_wait3A_73 : memref<50x128xi32, #tpu.memory_space<hbm>>) dst(%arg5 : memref<50x128xi32, #tpu.memory_space<vmem>>)
      tpu.yield
    }) : () -> ()
    %dma_start3A = arith.constant 0 : i32
    %dma_start3A_3 = arith.constant 0 : i32
    %dma_start3A_4 = arith.constant 0 : i32
    %dma_start3A_5 = arith.constant 0 : i32
    %dma_start3A_6 = tpu.memref_slice %arg6[%dma_start3A_3, %dma_start3A_4, %dma_start3A_5] : memref<5x128x128xf32, #tpu.memory_space<vmem>> -> memref<1x128x128xf32, #tpu.memory_space<vmem>>
    %dma_start3A_7 = tpu.memref_squeeze %dma_start3A_6 : memref<1x128x128xf32, #tpu.memory_space<vmem>> -> memref<128x128xf32, #tpu.memory_space<vmem>>
    %dma_start3A_8 = arith.constant 0 : i32
    %dma_start3A_9 = tpu.memref_slice %arg5[%dma_start3A, %dma_start3A_8] : memref<50x128xi32, #tpu.memory_space<vmem>> -> memref<1x128xi32, #tpu.memory_space<vmem>>
    %dma_start3A_10 = tpu.memref_squeeze %dma_start3A_9 : memref<1x128xi32, #tpu.memory_space<vmem>> -> memref<128xi32, #tpu.memory_space<vmem>>
    %dma_start3A_11 = arith.constant 0 : i32
    %dma_start3A_12 = arith.constant 0 : i32
    %dma_start3A_13 = tpu.memref_slice %arg3[%dma_start3A_11, %dma_start3A_12] : memref<100000x128xf32, #tpu.memory_space<hbm>> -> memref<100000x128xf32, #tpu.memory_space<hbm>>
    tpu.enqueue_indirect_dma source(%dma_start3A_13 : memref<100000x128xf32, #tpu.memory_space<hbm>>) target(%dma_start3A_7 : memref<128x128xf32, #tpu.memory_space<vmem>>) offsets(%dma_start3A_10 : memref<128xi32, #tpu.memory_space<vmem>>) semaphore(%arg7 : memref<!tpu.dma_semaphore, #tpu.memory_space<semaphore_mem>>)
    %dma_start3A_14 = arith.constant 1 : i32
    %dma_start3A_15 = arith.constant 1 : i32
    %dma_start3A_16 = arith.constant 0 : i32
    %dma_start3A_17 = arith.constant 0 : i32
    %dma_start3A_18 = tpu.memref_slice %arg6[%dma_start3A_15, %dma_start3A_16, %dma_start3A_17] : memref<5x128x128xf32, #tpu.memory_space<vmem>> -> memref<1x128x128xf32, #tpu.memory_space<vmem>>
    %dma_start3A_19 = tpu.memref_squeeze %dma_start3A_18 : memref<1x128x128xf32, #tpu.memory_space<vmem>> -> memref<128x128xf32, #tpu.memory_space<vmem>>
    %dma_start3A_20 = arith.constant 0 : i32
    %dma_start3A_21 = tpu.memref_slice %arg5[%dma_start3A_14, %dma_start3A_20] : memref<50x128xi32, #tpu.memory_space<vmem>> -> memref<1x128xi32, #tpu.memory_space<vmem>>
    %dma_start3A_22 = tpu.memref_squeeze %dma_start3A_21 : memref<1x128xi32, #tpu.memory_space<vmem>> -> memref<128xi32, #tpu.memory_space<vmem>>
    %dma_start3A_23 = arith.constant 0 : i32
    %dma_start3A_24 = arith.constant 0 : i32
    %dma_start3A_25 = tpu.memref_slice %arg3[%dma_start3A_23, %dma_start3A_24] : memref<100000x128xf32, #tpu.memory_space<hbm>> -> memref<100000x128xf32, #tpu.memory_space<hbm>>
    tpu.enqueue_indirect_dma source(%dma_start3A_25 : memref<100000x128xf32, #tpu.memory_space<hbm>>) target(%dma_start3A_19 : memref<128x128xf32, #tpu.memory_space<vmem>>) offsets(%dma_start3A_22 : memref<128xi32, #tpu.memory_space<vmem>>) semaphore(%arg8 : memref<!tpu.dma_semaphore, #tpu.memory_space<semaphore_mem>>)
    %dma_start3A_26 = arith.constant 2 : i32
    %dma_start3A_27 = arith.constant 2 : i32
    %dma_start3A_28 = arith.constant 0 : i32
    %dma_start3A_29 = arith.constant 0 : i32
    %dma_start3A_30 = tpu.memref_slice %arg6[%dma_start3A_27, %dma_start3A_28, %dma_start3A_29] : memref<5x128x128xf32, #tpu.memory_space<vmem>> -> memref<1x128x128xf32, #tpu.memory_space<vmem>>
    %dma_start3A_31 = tpu.memref_squeeze %dma_start3A_30 : memref<1x128x128xf32, #tpu.memory_space<vmem>> -> memref<128x128xf32, #tpu.memory_space<vmem>>
    %dma_start3A_32 = arith.constant 0 : i32
    %dma_start3A_33 = tpu.memref_slice %arg5[%dma_start3A_26, %dma_start3A_32] : memref<50x128xi32, #tpu.memory_space<vmem>> -> memref<1x128xi32, #tpu.memory_space<vmem>>
    %dma_start3A_34 = tpu.memref_squeeze %dma_start3A_33 : memref<1x128xi32, #tpu.memory_space<vmem>> -> memref<128xi32, #tpu.memory_space<vmem>>
    %dma_start3A_35 = arith.constant 0 : i32
    %dma_start3A_36 = arith.constant 0 : i32
    %dma_start3A_37 = tpu.memref_slice %arg3[%dma_start3A_35, %dma_start3A_36] : memref<100000x128xf32, #tpu.memory_space<hbm>> -> memref<100000x128xf32, #tpu.memory_space<hbm>>
    tpu.enqueue_indirect_dma source(%dma_start3A_37 : memref<100000x128xf32, #tpu.memory_space<hbm>>) target(%dma_start3A_31 : memref<128x128xf32, #tpu.memory_space<vmem>>) offsets(%dma_start3A_34 : memref<128xi32, #tpu.memory_space<vmem>>) semaphore(%arg9 : memref<!tpu.dma_semaphore, #tpu.memory_space<semaphore_mem>>)
    %dma_start3A_38 = arith.constant 3 : i32
    %dma_start3A_39 = arith.constant 3 : i32
    %dma_start3A_40 = arith.constant 0 : i32
    %dma_start3A_41 = arith.constant 0 : i32
    %dma_start3A_42 = tpu.memref_slice %arg6[%dma_start3A_39, %dma_start3A_40, %dma_start3A_41] : memref<5x128x128xf32, #tpu.memory_space<vmem>> -> memref<1x128x128xf32, #tpu.memory_space<vmem>>
    %dma_start3A_43 = tpu.memref_squeeze %dma_start3A_42 : memref<1x128x128xf32, #tpu.memory_space<vmem>> -> memref<128x128xf32, #tpu.memory_space<vmem>>
    %dma_start3A_44 = arith.constant 0 : i32
    %dma_start3A_45 = tpu.memref_slice %arg5[%dma_start3A_38, %dma_start3A_44] : memref<50x128xi32, #tpu.memory_space<vmem>> -> memref<1x128xi32, #tpu.memory_space<vmem>>
    %dma_start3A_46 = tpu.memref_squeeze %dma_start3A_45 : memref<1x128xi32, #tpu.memory_space<vmem>> -> memref<128xi32, #tpu.memory_space<vmem>>
    %dma_start3A_47 = arith.constant 0 : i32
    %dma_start3A_48 = arith.constant 0 : i32
    %dma_start3A_49 = tpu.memref_slice %arg3[%dma_start3A_47, %dma_start3A_48] : memref<100000x128xf32, #tpu.memory_space<hbm>> -> memref<100000x128xf32, #tpu.memory_space<hbm>>
    tpu.enqueue_indirect_dma source(%dma_start3A_49 : memref<100000x128xf32, #tpu.memory_space<hbm>>) target(%dma_start3A_43 : memref<128x128xf32, #tpu.memory_space<vmem>>) offsets(%dma_start3A_46 : memref<128xi32, #tpu.memory_space<vmem>>) semaphore(%arg10 : memref<!tpu.dma_semaphore, #tpu.memory_space<semaphore_mem>>)
    %dma_start3A_50 = arith.constant 4 : i32
    %dma_start3A_51 = arith.constant 4 : i32
    %dma_start3A_52 = arith.constant 0 : i32
    %dma_start3A_53 = arith.constant 0 : i32
    %dma_start3A_54 = tpu.memref_slice %arg6[%dma_start3A_51, %dma_start3A_52, %dma_start3A_53] : memref<5x128x128xf32, #tpu.memory_space<vmem>> -> memref<1x128x128xf32, #tpu.memory_space<vmem>>
    %dma_start3A_55 = tpu.memref_squeeze %dma_start3A_54 : memref<1x128x128xf32, #tpu.memory_space<vmem>> -> memref<128x128xf32, #tpu.memory_space<vmem>>
    %dma_start3A_56 = arith.constant 0 : i32
    %dma_start3A_57 = tpu.memref_slice %arg5[%dma_start3A_50, %dma_start3A_56] : memref<50x128xi32, #tpu.memory_space<vmem>> -> memref<1x128xi32, #tpu.memory_space<vmem>>
    %dma_start3A_58 = tpu.memref_squeeze %dma_start3A_57 : memref<1x128xi32, #tpu.memory_space<vmem>> -> memref<128xi32, #tpu.memory_space<vmem>>
    %dma_start3A_59 = arith.constant 0 : i32
    %dma_start3A_60 = arith.constant 0 : i32
    %dma_start3A_61 = tpu.memref_slice %arg3[%dma_start3A_59, %dma_start3A_60] : memref<100000x128xf32, #tpu.memory_space<hbm>> -> memref<100000x128xf32, #tpu.memory_space<hbm>>
    tpu.enqueue_indirect_dma source(%dma_start3A_61 : memref<100000x128xf32, #tpu.memory_space<hbm>>) target(%dma_start3A_55 : memref<128x128xf32, #tpu.memory_space<vmem>>) offsets(%dma_start3A_58 : memref<128xi32, #tpu.memory_space<vmem>>) semaphore(%arg11 : memref<!tpu.dma_semaphore, #tpu.memory_space<semaphore_mem>>)
    %scan3A = arith.constant 0 : i32
    %scan3A_62 = arith.constant 0 : i32
    %scan3A_63 = arith.constant 10 : i32
    %scan3A_64 = arith.addi %scan3A_62, %scan3A_63 : i32
    %scan3A_65 = arith.constant 1 : i32
    scf.for %scan3A_67 = %scan3A_62 to %scan3A_64 step %scan3A_65  : i32 {
      %dma_wait3A = arith.constant 0 : i32
      %dma_wait3A_68 = arith.constant 0 : i32
      %dma_wait3A_69 = arith.constant 0 : i32
      %dma_wait3A_70 = arith.constant 0 : i32
      %dma_wait3A_71 = tpu.memref_slice %arg6[%dma_wait3A_68, %dma_wait3A_69, %dma_wait3A_70] : memref<5x128x128xf32, #tpu.memory_space<vmem>> -> memref<1x128x128xf32, #tpu.memory_space<vmem>>
      %dma_wait3A_72 = tpu.memref_squeeze %dma_wait3A_71 : memref<1x128x128xf32, #tpu.memory_space<vmem>> -> memref<128x128xf32, #tpu.memory_space<vmem>>
      %dma_wait3A_73 = arith.constant 0 : i32
      %dma_wait3A_74 = tpu.memref_slice %arg5[%dma_wait3A, %dma_wait3A_73] : memref<50x128xi32, #tpu.memory_space<vmem>> -> memref<1x128xi32, #tpu.memory_space<vmem>>
      %dma_wait3A_75 = tpu.memref_squeeze %dma_wait3A_74 : memref<1x128xi32, #tpu.memory_space<vmem>> -> memref<128xi32, #tpu.memory_space<vmem>>
      %dma_wait3A_76 = arith.constant 0 : i32
      %dma_wait3A_77 = arith.constant 0 : i32
      %dma_wait3A_78 = tpu.memref_slice %arg3[%dma_wait3A_76, %dma_wait3A_77] : memref<100000x128xf32, #tpu.memory_space<hbm>> -> memref<100000x128xf32, #tpu.memory_space<hbm>>
      tpu.wait_indirect_dma semaphore(%arg7 : memref<!tpu.dma_semaphore, #tpu.memory_space<semaphore_mem>>) src(%dma_wait3A_78 : memref<100000x128xf32, #tpu.memory_space<hbm>>) dst(%dma_wait3A_72 : memref<128x128xf32, #tpu.memory_space<vmem>>)
      %scan3A_79 = arith.constant 0 : i32
      %scan3A_80 = arith.constant 0 : i32
      %scan3A_81 = arith.constant 128 : i32
      %scan3A_82 = arith.addi %scan3A_80, %scan3A_81 : i32
      %scan3A_83 = arith.constant 1 : i32
      scf.for %scan3A_354 = %scan3A_80 to %scan3A_82 step %scan3A_83  : i32 {
        %scan3A_355 = arith.constant 0 : i32
        %scan3A_356 = arith.constant 8 : i32
        %scan3A_357 = arith.addi %scan3A_355, %scan3A_356 : i32
        %scan3A_358 = arith.constant 1 : i32
        scf.for %scan3A_360 = %scan3A_355 to %scan3A_357 step %scan3A_358  : i32 {
          %mul3A_361 = arith.constant 16 : i32
          %mul3A_362 = arith.muli %scan3A_360, %mul3A_361 : i32
          %get3A = arith.constant 0 : i32
          %get3A_363 = arith.index_cast %get3A : i32 to index
          %get3A_364 = arith.index_cast %scan3A_354 : i32 to index
          %get3A_365 = arith.index_cast %mul3A_362 : i32 to index
          %get3A_366 = tpu.vector_load %arg6[%get3A_363, %get3A_364, %get3A_365] {strides = array<i32>} : memref<5x128x128xf32, #tpu.memory_space<vmem>>, vector<1x1x16xf32>,
          %get3A_367 = vector.shape_cast %get3A_366 : vector<1x1x16xf32> to vector<16xf32>
          %mul3A_368 = arith.constant 11.3137083 : f32
          %mul3A_369 = vector.broadcast %mul3A_368 : f32 to vector<16xf32>
          %mul3A_370 = arith.mulf %get3A_367, %mul3A_369 : vector<16xf32>
          %swap3A = arith.constant 0 : i32
          %swap3A_371 = arith.index_cast %swap3A : i32 to index
          %swap3A_372 = arith.index_cast %scan3A_354 : i32 to index
          %swap3A_373 = arith.index_cast %mul3A_362 : i32 to index
          %swap3A_374 = tpu.vector_load %arg6[%swap3A_371, %swap3A_372, %swap3A_373] {strides = array<i32>} : memref<5x128x128xf32, #tpu.memory_space<vmem>>, vector<1x1x16xf32>,
          %swap3A_375 = vector.shape_cast %swap3A_374 : vector<1x1x16xf32> to vector<16xf32>
          %swap3A_376 = vector.shape_cast %mul3A_370 : vector<16xf32> to vector<1x1x16xf32>
          tpu.vector_store %arg6[%swap3A_371, %swap3A_372, %swap3A_373], %swap3A_376 {strides = array<i32>} : memref<5x128x128xf32, #tpu.memory_space<vmem>>, vector<1x1x16xf32>,
        }
        %scan3A_359 = arith.constant 8 : i32
      }
      %scan3A_84 = arith.constant 128 : i32
      %mul3A_85 = arith.constant 5 : i32
      %mul3A_86 = arith.muli %scan3A_67, %mul3A_85 : i32
      %add3A_87 = arith.constant 0 : i32
      %add3A_88 = arith.addi %mul3A_86, %add3A_87 : i32
      %dma_start3A_89 = arith.constant 0 : i32
      %dma_start3A_90 = arith.constant 0 : i32
      %dma_start3A_91 = arith.constant 0 : i32
      %dma_start3A_92 = tpu.memref_slice %arg6[%dma_start3A_89, %dma_start3A_90, %dma_start3A_91] : memref<5x128x128xf32, #tpu.memory_space<vmem>> -> memref<1x128x128xf32, #tpu.memory_space<vmem>>
      %dma_start3A_93 = tpu.memref_squeeze %dma_start3A_92 : memref<1x128x128xf32, #tpu.memory_space<vmem>> -> memref<128x128xf32, #tpu.memory_space<vmem>>
      %dma_start3A_94 = arith.constant 0 : i32
      %dma_start3A_95 = tpu.memref_slice %arg4[%add3A_88, %mul3A_2, %dma_start3A_94] : memref<50x4096x128xf32, #tpu.memory_space<hbm>> -> memref<1x128x128xf32, #tpu.memory_space<hbm>>
      %dma_start3A_96 = tpu.memref_squeeze %dma_start3A_95 : memref<1x128x128xf32, #tpu.memory_space<hbm>> -> memref<128x128xf32, #tpu.memory_space<hbm>>
      %dma_start3A_97 = arith.constant 0 : i32
      %dma_start3A_98 = tpu.memref_slice %arg4[%add3A_88, %mul3A_2, %dma_start3A_97] : memref<50x4096x128xf32, #tpu.memory_space<hbm>> -> memref<1x128x128xf32, #tpu.memory_space<hbm>>
      %dma_start3A_99 = tpu.memref_squeeze %dma_start3A_98 : memref<1x128x128xf32, #tpu.memory_space<hbm>> -> memref<128x128xf32, #tpu.memory_space<hbm>>
      %dma_start3A_100 = arith.constant 0 : i32
      %dma_start3A_101 = arith.constant 0 : i32
      %dma_start3A_102 = tpu.memref_slice %arg6[%dma_start3A_89, %dma_start3A_100, %dma_start3A_101] : memref<5x128x128xf32, #tpu.memory_space<vmem>> -> memref<1x128x128xf32, #tpu.memory_space<vmem>>
      %dma_start3A_103 = tpu.memref_squeeze %dma_start3A_102 : memref<1x128x128xf32, #tpu.memory_space<vmem>> -> memref<128x128xf32, #tpu.memory_space<vmem>>
      tpu.enqueue_dma source(%dma_start3A_103 : memref<128x128xf32, #tpu.memory_space<vmem>>) target(%dma_start3A_99 : memref<128x128xf32, #tpu.memory_space<hbm>>) target_semaphore(%arg12 : memref<!tpu.dma_semaphore, #tpu.memory_space<semaphore_mem>>)
      %dma_wait3A_104 = arith.constant 0 : i32
      %dma_wait3A_105 = arith.constant 1 : i32
      %dma_wait3A_106 = arith.constant 0 : i32
      %dma_wait3A_107 = arith.constant 0 : i32
      %dma_wait3A_108 = tpu.memref_slice %arg6[%dma_wait3A_105, %dma_wait3A_106, %dma_wait3A_107] : memref<5x128x128xf32, #tpu.memory_space<vmem>> -> memref<1x128x128xf32, #tpu.memory_space<vmem>>
      %dma_wait3A_109 = tpu.memref_squeeze %dma_wait3A_108 : memref<1x128x128xf32, #tpu.memory_space<vmem>> -> memref<128x128xf32, #tpu.memory_space<vmem>>
      %dma_wait3A_110 = arith.constant 0 : i32
      %dma_wait3A_111 = tpu.memref_slice %arg5[%dma_wait3A_104, %dma_wait3A_110] : memref<50x128xi32, #tpu.memory_space<vmem>> -> memref<1x128xi32, #tpu.memory_space<vmem>>
      %dma_wait3A_112 = tpu.memref_squeeze %dma_wait3A_111 : memref<1x128xi32, #tpu.memory_space<vmem>> -> memref<128xi32, #tpu.memory_space<vmem>>
      %dma_wait3A_113 = arith.constant 0 : i32
      %dma_wait3A_114 = arith.constant 0 : i32
      %dma_wait3A_115 = tpu.memref_slice %arg3[%dma_wait3A_113, %dma_wait3A_114] : memref<100000x128xf32, #tpu.memory_space<hbm>> -> memref<100000x128xf32, #tpu.memory_space<hbm>>
      tpu.wait_indirect_dma semaphore(%arg8 : memref<!tpu.dma_semaphore, #tpu.memory_space<semaphore_mem>>) src(%dma_wait3A_115 : memref<100000x128xf32, #tpu.memory_space<hbm>>) dst(%dma_wait3A_109 : memref<128x128xf32, #tpu.memory_space<vmem>>)
      %scan3A_116 = arith.constant 0 : i32
      %scan3A_117 = arith.constant 0 : i32
      %scan3A_118 = arith.constant 128 : i32
      %scan3A_119 = arith.addi %scan3A_117, %scan3A_118 : i32
      %scan3A_120 = arith.constant 1 : i32
      scf.for %scan3A_354 = %scan3A_117 to %scan3A_119 step %scan3A_120  : i32 {
        %scan3A_355 = arith.constant 0 : i32
        %scan3A_356 = arith.constant 8 : i32
        %scan3A_357 = arith.addi %scan3A_355, %scan3A_356 : i32
        %scan3A_358 = arith.constant 1 : i32
        scf.for %scan3A_360 = %scan3A_355 to %scan3A_357 step %scan3A_358  : i32 {
          %mul3A_361 = arith.constant 16 : i32
          %mul3A_362 = arith.muli %scan3A_360, %mul3A_361 : i32
          %get3A = arith.constant 1 : i32
          %get3A_363 = arith.index_cast %get3A : i32 to index
          %get3A_364 = arith.index_cast %scan3A_354 : i32 to index
          %get3A_365 = arith.index_cast %mul3A_362 : i32 to index
          %get3A_366 = tpu.vector_load %arg6[%get3A_363, %get3A_364, %get3A_365] {strides = array<i32>} : memref<5x128x128xf32, #tpu.memory_space<vmem>>, vector<1x1x16xf32>,
          %get3A_367 = vector.shape_cast %get3A_366 : vector<1x1x16xf32> to vector<16xf32>
          %mul3A_368 = arith.constant 11.3137083 : f32
          %mul3A_369 = vector.broadcast %mul3A_368 : f32 to vector<16xf32>
          %mul3A_370 = arith.mulf %get3A_367, %mul3A_369 : vector<16xf32>
          %swap3A = arith.constant 1 : i32
          %swap3A_371 = arith.index_cast %swap3A : i32 to index
          %swap3A_372 = arith.index_cast %scan3A_354 : i32 to index
          %swap3A_373 = arith.index_cast %mul3A_362 : i32 to index
          %swap3A_374 = tpu.vector_load %arg6[%swap3A_371, %swap3A_372, %swap3A_373] {strides = array<i32>} : memref<5x128x128xf32, #tpu.memory_space<vmem>>, vector<1x1x16xf32>,
          %swap3A_375 = vector.shape_cast %swap3A_374 : vector<1x1x16xf32> to vector<16xf32>
          %swap3A_376 = vector.shape_cast %mul3A_370 : vector<16xf32> to vector<1x1x16xf32>
          tpu.vector_store %arg6[%swap3A_371, %swap3A_372, %swap3A_373], %swap3A_376 {strides = array<i32>} : memref<5x128x128xf32, #tpu.memory_space<vmem>>, vector<1x1x16xf32>,
        }
        %scan3A_359 = arith.constant 8 : i32
      }
      %scan3A_121 = arith.constant 128 : i32
      %mul3A_122 = arith.constant 5 : i32
      %mul3A_123 = arith.muli %scan3A_67, %mul3A_122 : i32
      %add3A_124 = arith.constant 1 : i32
      %add3A_125 = arith.addi %mul3A_123, %add3A_124 : i32
      %dma_start3A_126 = arith.constant 1 : i32
      %dma_start3A_127 = arith.constant 0 : i32
      %dma_start3A_128 = arith.constant 0 : i32
      %dma_start3A_129 = tpu.memref_slice %arg6[%dma_start3A_126, %dma_start3A_127, %dma_start3A_128] : memref<5x128x128xf32, #tpu.memory_space<vmem>> -> memref<1x128x128xf32, #tpu.memory_space<vmem>>
      %dma_start3A_130 = tpu.memref_squeeze %dma_start3A_129 : memref<1x128x128xf32, #tpu.memory_space<vmem>> -> memref<128x128xf32, #tpu.memory_space<vmem>>
      %dma_start3A_131 = arith.constant 0 : i32
      %dma_start3A_132 = tpu.memref_slice %arg4[%add3A_125, %mul3A_2, %dma_start3A_131] : memref<50x4096x128xf32, #tpu.memory_space<hbm>> -> memref<1x128x128xf32, #tpu.memory_space<hbm>>
      %dma_start3A_133 = tpu.memref_squeeze %dma_start3A_132 : memref<1x128x128xf32, #tpu.memory_space<hbm>> -> memref<128x128xf32, #tpu.memory_space<hbm>>
      %dma_start3A_134 = arith.constant 0 : i32
      %dma_start3A_135 = tpu.memref_slice %arg4[%add3A_125, %mul3A_2, %dma_start3A_134] : memref<50x4096x128xf32, #tpu.memory_space<hbm>> -> memref<1x128x128xf32, #tpu.memory_space<hbm>>
      %dma_start3A_136 = tpu.memref_squeeze %dma_start3A_135 : memref<1x128x128xf32, #tpu.memory_space<hbm>> -> memref<128x128xf32, #tpu.memory_space<hbm>>
      %dma_start3A_137 = arith.constant 0 : i32
      %dma_start3A_138 = arith.constant 0 : i32
      %dma_start3A_139 = tpu.memref_slice %arg6[%dma_start3A_126, %dma_start3A_137, %dma_start3A_138] : memref<5x128x128xf32, #tpu.memory_space<vmem>> -> memref<1x128x128xf32, #tpu.memory_space<vmem>>
      %dma_start3A_140 = tpu.memref_squeeze %dma_start3A_139 : memref<1x128x128xf32, #tpu.memory_space<vmem>> -> memref<128x128xf32, #tpu.memory_space<vmem>>
      tpu.enqueue_dma source(%dma_start3A_140 : memref<128x128xf32, #tpu.memory_space<vmem>>) target(%dma_start3A_136 : memref<128x128xf32, #tpu.memory_space<hbm>>) target_semaphore(%arg13 : memref<!tpu.dma_semaphore, #tpu.memory_space<semaphore_mem>>)
      %dma_wait3A_141 = arith.constant 0 : i32
      %dma_wait3A_142 = arith.constant 2 : i32
      %dma_wait3A_143 = arith.constant 0 : i32
      %dma_wait3A_144 = arith.constant 0 : i32
      %dma_wait3A_145 = tpu.memref_slice %arg6[%dma_wait3A_142, %dma_wait3A_143, %dma_wait3A_144] : memref<5x128x128xf32, #tpu.memory_space<vmem>> -> memref<1x128x128xf32, #tpu.memory_space<vmem>>
      %dma_wait3A_146 = tpu.memref_squeeze %dma_wait3A_145 : memref<1x128x128xf32, #tpu.memory_space<vmem>> -> memref<128x128xf32, #tpu.memory_space<vmem>>
      %dma_wait3A_147 = arith.constant 0 : i32
      %dma_wait3A_148 = tpu.memref_slice %arg5[%dma_wait3A_141, %dma_wait3A_147] : memref<50x128xi32, #tpu.memory_space<vmem>> -> memref<1x128xi32, #tpu.memory_space<vmem>>
      %dma_wait3A_149 = tpu.memref_squeeze %dma_wait3A_148 : memref<1x128xi32, #tpu.memory_space<vmem>> -> memref<128xi32, #tpu.memory_space<vmem>>
      %dma_wait3A_150 = arith.constant 0 : i32
      %dma_wait3A_151 = arith.constant 0 : i32
      %dma_wait3A_152 = tpu.memref_slice %arg3[%dma_wait3A_150, %dma_wait3A_151] : memref<100000x128xf32, #tpu.memory_space<hbm>> -> memref<100000x128xf32, #tpu.memory_space<hbm>>
      tpu.wait_indirect_dma semaphore(%arg9 : memref<!tpu.dma_semaphore, #tpu.memory_space<semaphore_mem>>) src(%dma_wait3A_152 : memref<100000x128xf32, #tpu.memory_space<hbm>>) dst(%dma_wait3A_146 : memref<128x128xf32, #tpu.memory_space<vmem>>)
      %scan3A_153 = arith.constant 0 : i32
      %scan3A_154 = arith.constant 0 : i32
      %scan3A_155 = arith.constant 128 : i32
      %scan3A_156 = arith.addi %scan3A_154, %scan3A_155 : i32
      %scan3A_157 = arith.constant 1 : i32
      scf.for %scan3A_354 = %scan3A_154 to %scan3A_156 step %scan3A_157  : i32 {
        %scan3A_355 = arith.constant 0 : i32
        %scan3A_356 = arith.constant 8 : i32
        %scan3A_357 = arith.addi %scan3A_355, %scan3A_356 : i32
        %scan3A_358 = arith.constant 1 : i32
        scf.for %scan3A_360 = %scan3A_355 to %scan3A_357 step %scan3A_358  : i32 {
          %mul3A_361 = arith.constant 16 : i32
          %mul3A_362 = arith.muli %scan3A_360, %mul3A_361 : i32
          %get3A = arith.constant 2 : i32
          %get3A_363 = arith.index_cast %get3A : i32 to index
          %get3A_364 = arith.index_cast %scan3A_354 : i32 to index
          %get3A_365 = arith.index_cast %mul3A_362 : i32 to index
          %get3A_366 = tpu.vector_load %arg6[%get3A_363, %get3A_364, %get3A_365] {strides = array<i32>} : memref<5x128x128xf32, #tpu.memory_space<vmem>>, vector<1x1x16xf32>,
          %get3A_367 = vector.shape_cast %get3A_366 : vector<1x1x16xf32> to vector<16xf32>
          %mul3A_368 = arith.constant 11.3137083 : f32
          %mul3A_369 = vector.broadcast %mul3A_368 : f32 to vector<16xf32>
          %mul3A_370 = arith.mulf %get3A_367, %mul3A_369 : vector<16xf32>
          %swap3A = arith.constant 2 : i32
          %swap3A_371 = arith.index_cast %swap3A : i32 to index
          %swap3A_372 = arith.index_cast %scan3A_354 : i32 to index
          %swap3A_373 = arith.index_cast %mul3A_362 : i32 to index
          %swap3A_374 = tpu.vector_load %arg6[%swap3A_371, %swap3A_372, %swap3A_373] {strides = array<i32>} : memref<5x128x128xf32, #tpu.memory_space<vmem>>, vector<1x1x16xf32>,
          %swap3A_375 = vector.shape_cast %swap3A_374 : vector<1x1x16xf32> to vector<16xf32>
          %swap3A_376 = vector.shape_cast %mul3A_370 : vector<16xf32> to vector<1x1x16xf32>
          tpu.vector_store %arg6[%swap3A_371, %swap3A_372, %swap3A_373], %swap3A_376 {strides = array<i32>} : memref<5x128x128xf32, #tpu.memory_space<vmem>>, vector<1x1x16xf32>,
        }
        %scan3A_359 = arith.constant 8 : i32
      }
      %scan3A_158 = arith.constant 128 : i32
      %mul3A_159 = arith.constant 5 : i32
      %mul3A_160 = arith.muli %scan3A_67, %mul3A_159 : i32
      %add3A_161 = arith.constant 2 : i32
      %add3A_162 = arith.addi %mul3A_160, %add3A_161 : i32
      %dma_start3A_163 = arith.constant 2 : i32
      %dma_start3A_164 = arith.constant 0 : i32
      %dma_start3A_165 = arith.constant 0 : i32
      %dma_start3A_166 = tpu.memref_slice %arg6[%dma_start3A_163, %dma_start3A_164, %dma_start3A_165] : memref<5x128x128xf32, #tpu.memory_space<vmem>> -> memref<1x128x128xf32, #tpu.memory_space<vmem>>
      %dma_start3A_167 = tpu.memref_squeeze %dma_start3A_166 : memref<1x128x128xf32, #tpu.memory_space<vmem>> -> memref<128x128xf32, #tpu.memory_space<vmem>>
      %dma_start3A_168 = arith.constant 0 : i32
      %dma_start3A_169 = tpu.memref_slice %arg4[%add3A_162, %mul3A_2, %dma_start3A_168] : memref<50x4096x128xf32, #tpu.memory_space<hbm>> -> memref<1x128x128xf32, #tpu.memory_space<hbm>>
      %dma_start3A_170 = tpu.memref_squeeze %dma_start3A_169 : memref<1x128x128xf32, #tpu.memory_space<hbm>> -> memref<128x128xf32, #tpu.memory_space<hbm>>
      %dma_start3A_171 = arith.constant 0 : i32
      %dma_start3A_172 = tpu.memref_slice %arg4[%add3A_162, %mul3A_2, %dma_start3A_171] : memref<50x4096x128xf32, #tpu.memory_space<hbm>> -> memref<1x128x128xf32, #tpu.memory_space<hbm>>
      %dma_start3A_173 = tpu.memref_squeeze %dma_start3A_172 : memref<1x128x128xf32, #tpu.memory_space<hbm>> -> memref<128x128xf32, #tpu.memory_space<hbm>>
      %dma_start3A_174 = arith.constant 0 : i32
      %dma_start3A_175 = arith.constant 0 : i32
      %dma_start3A_176 = tpu.memref_slice %arg6[%dma_start3A_163, %dma_start3A_174, %dma_start3A_175] : memref<5x128x128xf32, #tpu.memory_space<vmem>> -> memref<1x128x128xf32, #tpu.memory_space<vmem>>
      %dma_start3A_177 = tpu.memref_squeeze %dma_start3A_176 : memref<1x128x128xf32, #tpu.memory_space<vmem>> -> memref<128x128xf32, #tpu.memory_space<vmem>>
      tpu.enqueue_dma source(%dma_start3A_177 : memref<128x128xf32, #tpu.memory_space<vmem>>) target(%dma_start3A_173 : memref<128x128xf32, #tpu.memory_space<hbm>>) target_semaphore(%arg14 : memref<!tpu.dma_semaphore, #tpu.memory_space<semaphore_mem>>)
      %dma_wait3A_178 = arith.constant 0 : i32
      %dma_wait3A_179 = arith.constant 3 : i32
      %dma_wait3A_180 = arith.constant 0 : i32
      %dma_wait3A_181 = arith.constant 0 : i32
      %dma_wait3A_182 = tpu.memref_slice %arg6[%dma_wait3A_179, %dma_wait3A_180, %dma_wait3A_181] : memref<5x128x128xf32, #tpu.memory_space<vmem>> -> memref<1x128x128xf32, #tpu.memory_space<vmem>>
      %dma_wait3A_183 = tpu.memref_squeeze %dma_wait3A_182 : memref<1x128x128xf32, #tpu.memory_space<vmem>> -> memref<128x128xf32, #tpu.memory_space<vmem>>
      %dma_wait3A_184 = arith.constant 0 : i32
      %dma_wait3A_185 = tpu.memref_slice %arg5[%dma_wait3A_178, %dma_wait3A_184] : memref<50x128xi32, #tpu.memory_space<vmem>> -> memref<1x128xi32, #tpu.memory_space<vmem>>
      %dma_wait3A_186 = tpu.memref_squeeze %dma_wait3A_185 : memref<1x128xi32, #tpu.memory_space<vmem>> -> memref<128xi32, #tpu.memory_space<vmem>>
      %dma_wait3A_187 = arith.constant 0 : i32
      %dma_wait3A_188 = arith.constant 0 : i32
      %dma_wait3A_189 = tpu.memref_slice %arg3[%dma_wait3A_187, %dma_wait3A_188] : memref<100000x128xf32, #tpu.memory_space<hbm>> -> memref<100000x128xf32, #tpu.memory_space<hbm>>
      tpu.wait_indirect_dma semaphore(%arg10 : memref<!tpu.dma_semaphore, #tpu.memory_space<semaphore_mem>>) src(%dma_wait3A_189 : memref<100000x128xf32, #tpu.memory_space<hbm>>) dst(%dma_wait3A_183 : memref<128x128xf32, #tpu.memory_space<vmem>>)
      %scan3A_190 = arith.constant 0 : i32
      %scan3A_191 = arith.constant 0 : i32
      %scan3A_192 = arith.constant 128 : i32
      %scan3A_193 = arith.addi %scan3A_191, %scan3A_192 : i32
      %scan3A_194 = arith.constant 1 : i32
      scf.for %scan3A_354 = %scan3A_191 to %scan3A_193 step %scan3A_194  : i32 {
        %scan3A_355 = arith.constant 0 : i32
        %scan3A_356 = arith.constant 8 : i32
        %scan3A_357 = arith.addi %scan3A_355, %scan3A_356 : i32
        %scan3A_358 = arith.constant 1 : i32
        scf.for %scan3A_360 = %scan3A_355 to %scan3A_357 step %scan3A_358  : i32 {
          %mul3A_361 = arith.constant 16 : i32
          %mul3A_362 = arith.muli %scan3A_360, %mul3A_361 : i32
          %get3A = arith.constant 3 : i32
          %get3A_363 = arith.index_cast %get3A : i32 to index
          %get3A_364 = arith.index_cast %scan3A_354 : i32 to index
          %get3A_365 = arith.index_cast %mul3A_362 : i32 to index
          %get3A_366 = tpu.vector_load %arg6[%get3A_363, %get3A_364, %get3A_365] {strides = array<i32>} : memref<5x128x128xf32, #tpu.memory_space<vmem>>, vector<1x1x16xf32>,
          %get3A_367 = vector.shape_cast %get3A_366 : vector<1x1x16xf32> to vector<16xf32>
          %mul3A_368 = arith.constant 11.3137083 : f32
          %mul3A_369 = vector.broadcast %mul3A_368 : f32 to vector<16xf32>
          %mul3A_370 = arith.mulf %get3A_367, %mul3A_369 : vector<16xf32>
          %swap3A = arith.constant 3 : i32
          %swap3A_371 = arith.index_cast %swap3A : i32 to index
          %swap3A_372 = arith.index_cast %scan3A_354 : i32 to index
          %swap3A_373 = arith.index_cast %mul3A_362 : i32 to index
          %swap3A_374 = tpu.vector_load %arg6[%swap3A_371, %swap3A_372, %swap3A_373] {strides = array<i32>} : memref<5x128x128xf32, #tpu.memory_space<vmem>>, vector<1x1x16xf32>,
          %swap3A_375 = vector.shape_cast %swap3A_374 : vector<1x1x16xf32> to vector<16xf32>
          %swap3A_376 = vector.shape_cast %mul3A_370 : vector<16xf32> to vector<1x1x16xf32>
          tpu.vector_store %arg6[%swap3A_371, %swap3A_372, %swap3A_373], %swap3A_376 {strides = array<i32>} : memref<5x128x128xf32, #tpu.memory_space<vmem>>, vector<1x1x16xf32>,
        }
        %scan3A_359 = arith.constant 8 : i32
      }
      %scan3A_195 = arith.constant 128 : i32
      %mul3A_196 = arith.constant 5 : i32
      %mul3A_197 = arith.muli %scan3A_67, %mul3A_196 : i32
      %add3A_198 = arith.constant 3 : i32
      %add3A_199 = arith.addi %mul3A_197, %add3A_198 : i32
      %dma_start3A_200 = arith.constant 3 : i32
      %dma_start3A_201 = arith.constant 0 : i32
      %dma_start3A_202 = arith.constant 0 : i32
      %dma_start3A_203 = tpu.memref_slice %arg6[%dma_start3A_200, %dma_start3A_201, %dma_start3A_202] : memref<5x128x128xf32, #tpu.memory_space<vmem>> -> memref<1x128x128xf32, #tpu.memory_space<vmem>>
      %dma_start3A_204 = tpu.memref_squeeze %dma_start3A_203 : memref<1x128x128xf32, #tpu.memory_space<vmem>> -> memref<128x128xf32, #tpu.memory_space<vmem>>
      %dma_start3A_205 = arith.constant 0 : i32
      %dma_start3A_206 = tpu.memref_slice %arg4[%add3A_199, %mul3A_2, %dma_start3A_205] : memref<50x4096x128xf32, #tpu.memory_space<hbm>> -> memref<1x128x128xf32, #tpu.memory_space<hbm>>
      %dma_start3A_207 = tpu.memref_squeeze %dma_start3A_206 : memref<1x128x128xf32, #tpu.memory_space<hbm>> -> memref<128x128xf32, #tpu.memory_space<hbm>>
      %dma_start3A_208 = arith.constant 0 : i32
      %dma_start3A_209 = tpu.memref_slice %arg4[%add3A_199, %mul3A_2, %dma_start3A_208] : memref<50x4096x128xf32, #tpu.memory_space<hbm>> -> memref<1x128x128xf32, #tpu.memory_space<hbm>>
      %dma_start3A_210 = tpu.memref_squeeze %dma_start3A_209 : memref<1x128x128xf32, #tpu.memory_space<hbm>> -> memref<128x128xf32, #tpu.memory_space<hbm>>
      %dma_start3A_211 = arith.constant 0 : i32
      %dma_start3A_212 = arith.constant 0 : i32
      %dma_start3A_213 = tpu.memref_slice %arg6[%dma_start3A_200, %dma_start3A_211, %dma_start3A_212] : memref<5x128x128xf32, #tpu.memory_space<vmem>> -> memref<1x128x128xf32, #tpu.memory_space<vmem>>
      %dma_start3A_214 = tpu.memref_squeeze %dma_start3A_213 : memref<1x128x128xf32, #tpu.memory_space<vmem>> -> memref<128x128xf32, #tpu.memory_space<vmem>>
      tpu.enqueue_dma source(%dma_start3A_214 : memref<128x128xf32, #tpu.memory_space<vmem>>) target(%dma_start3A_210 : memref<128x128xf32, #tpu.memory_space<hbm>>) target_semaphore(%arg15 : memref<!tpu.dma_semaphore, #tpu.memory_space<semaphore_mem>>)
      %dma_wait3A_215 = arith.constant 0 : i32
      %dma_wait3A_216 = arith.constant 4 : i32
      %dma_wait3A_217 = arith.constant 0 : i32
      %dma_wait3A_218 = arith.constant 0 : i32
      %dma_wait3A_219 = tpu.memref_slice %arg6[%dma_wait3A_216, %dma_wait3A_217, %dma_wait3A_218] : memref<5x128x128xf32, #tpu.memory_space<vmem>> -> memref<1x128x128xf32, #tpu.memory_space<vmem>>
      %dma_wait3A_220 = tpu.memref_squeeze %dma_wait3A_219 : memref<1x128x128xf32, #tpu.memory_space<vmem>> -> memref<128x128xf32, #tpu.memory_space<vmem>>
      %dma_wait3A_221 = arith.constant 0 : i32
      %dma_wait3A_222 = tpu.memref_slice %arg5[%dma_wait3A_215, %dma_wait3A_221] : memref<50x128xi32, #tpu.memory_space<vmem>> -> memref<1x128xi32, #tpu.memory_space<vmem>>
      %dma_wait3A_223 = tpu.memref_squeeze %dma_wait3A_222 : memref<1x128xi32, #tpu.memory_space<vmem>> -> memref<128xi32, #tpu.memory_space<vmem>>
      %dma_wait3A_224 = arith.constant 0 : i32
      %dma_wait3A_225 = arith.constant 0 : i32
      %dma_wait3A_226 = tpu.memref_slice %arg3[%dma_wait3A_224, %dma_wait3A_225] : memref<100000x128xf32, #tpu.memory_space<hbm>> -> memref<100000x128xf32, #tpu.memory_space<hbm>>
      tpu.wait_indirect_dma semaphore(%arg11 : memref<!tpu.dma_semaphore, #tpu.memory_space<semaphore_mem>>) src(%dma_wait3A_226 : memref<100000x128xf32, #tpu.memory_space<hbm>>) dst(%dma_wait3A_220 : memref<128x128xf32, #tpu.memory_space<vmem>>)
      %scan3A_227 = arith.constant 0 : i32
      %scan3A_228 = arith.constant 0 : i32
      %scan3A_229 = arith.constant 128 : i32
      %scan3A_230 = arith.addi %scan3A_228, %scan3A_229 : i32
      %scan3A_231 = arith.constant 1 : i32
      scf.for %scan3A_354 = %scan3A_228 to %scan3A_230 step %scan3A_231  : i32 {
        %scan3A_355 = arith.constant 0 : i32
        %scan3A_356 = arith.constant 8 : i32
        %scan3A_357 = arith.addi %scan3A_355, %scan3A_356 : i32
        %scan3A_358 = arith.constant 1 : i32
        scf.for %scan3A_360 = %scan3A_355 to %scan3A_357 step %scan3A_358  : i32 {
          %mul3A_361 = arith.constant 16 : i32
          %mul3A_362 = arith.muli %scan3A_360, %mul3A_361 : i32
          %get3A = arith.constant 4 : i32
          %get3A_363 = arith.index_cast %get3A : i32 to index
          %get3A_364 = arith.index_cast %scan3A_354 : i32 to index
          %get3A_365 = arith.index_cast %mul3A_362 : i32 to index
          %get3A_366 = tpu.vector_load %arg6[%get3A_363, %get3A_364, %get3A_365] {strides = array<i32>} : memref<5x128x128xf32, #tpu.memory_space<vmem>>, vector<1x1x16xf32>,
          %get3A_367 = vector.shape_cast %get3A_366 : vector<1x1x16xf32> to vector<16xf32>
          %mul3A_368 = arith.constant 11.3137083 : f32
          %mul3A_369 = vector.broadcast %mul3A_368 : f32 to vector<16xf32>
          %mul3A_370 = arith.mulf %get3A_367, %mul3A_369 : vector<16xf32>
          %swap3A = arith.constant 4 : i32
          %swap3A_371 = arith.index_cast %swap3A : i32 to index
          %swap3A_372 = arith.index_cast %scan3A_354 : i32 to index
          %swap3A_373 = arith.index_cast %mul3A_362 : i32 to index
          %swap3A_374 = tpu.vector_load %arg6[%swap3A_371, %swap3A_372, %swap3A_373] {strides = array<i32>} : memref<5x128x128xf32, #tpu.memory_space<vmem>>, vector<1x1x16xf32>,
          %swap3A_375 = vector.shape_cast %swap3A_374 : vector<1x1x16xf32> to vector<16xf32>
          %swap3A_376 = vector.shape_cast %mul3A_370 : vector<16xf32> to vector<1x1x16xf32>
          tpu.vector_store %arg6[%swap3A_371, %swap3A_372, %swap3A_373], %swap3A_376 {strides = array<i32>} : memref<5x128x128xf32, #tpu.memory_space<vmem>>, vector<1x1x16xf32>,
        }
        %scan3A_359 = arith.constant 8 : i32
      }
      %scan3A_232 = arith.constant 128 : i32
      %mul3A_233 = arith.constant 5 : i32
      %mul3A_234 = arith.muli %scan3A_67, %mul3A_233 : i32
      %add3A_235 = arith.constant 4 : i32
      %add3A_236 = arith.addi %mul3A_234, %add3A_235 : i32
      %dma_start3A_237 = arith.constant 4 : i32
      %dma_start3A_238 = arith.constant 0 : i32
      %dma_start3A_239 = arith.constant 0 : i32
      %dma_start3A_240 = tpu.memref_slice %arg6[%dma_start3A_237, %dma_start3A_238, %dma_start3A_239] : memref<5x128x128xf32, #tpu.memory_space<vmem>> -> memref<1x128x128xf32, #tpu.memory_space<vmem>>
      %dma_start3A_241 = tpu.memref_squeeze %dma_start3A_240 : memref<1x128x128xf32, #tpu.memory_space<vmem>> -> memref<128x128xf32, #tpu.memory_space<vmem>>
      %dma_start3A_242 = arith.constant 0 : i32
      %dma_start3A_243 = tpu.memref_slice %arg4[%add3A_236, %mul3A_2, %dma_start3A_242] : memref<50x4096x128xf32, #tpu.memory_space<hbm>> -> memref<1x128x128xf32, #tpu.memory_space<hbm>>
      %dma_start3A_244 = tpu.memref_squeeze %dma_start3A_243 : memref<1x128x128xf32, #tpu.memory_space<hbm>> -> memref<128x128xf32, #tpu.memory_space<hbm>>
      %dma_start3A_245 = arith.constant 0 : i32
      %dma_start3A_246 = tpu.memref_slice %arg4[%add3A_236, %mul3A_2, %dma_start3A_245] : memref<50x4096x128xf32, #tpu.memory_space<hbm>> -> memref<1x128x128xf32, #tpu.memory_space<hbm>>
      %dma_start3A_247 = tpu.memref_squeeze %dma_start3A_246 : memref<1x128x128xf32, #tpu.memory_space<hbm>> -> memref<128x128xf32, #tpu.memory_space<hbm>>
      %dma_start3A_248 = arith.constant 0 : i32
      %dma_start3A_249 = arith.constant 0 : i32
      %dma_start3A_250 = tpu.memref_slice %arg6[%dma_start3A_237, %dma_start3A_248, %dma_start3A_249] : memref<5x128x128xf32, #tpu.memory_space<vmem>> -> memref<1x128x128xf32, #tpu.memory_space<vmem>>
      %dma_start3A_251 = tpu.memref_squeeze %dma_start3A_250 : memref<1x128x128xf32, #tpu.memory_space<vmem>> -> memref<128x128xf32, #tpu.memory_space<vmem>>
      tpu.enqueue_dma source(%dma_start3A_251 : memref<128x128xf32, #tpu.memory_space<vmem>>) target(%dma_start3A_247 : memref<128x128xf32, #tpu.memory_space<hbm>>) target_semaphore(%arg16 : memref<!tpu.dma_semaphore, #tpu.memory_space<semaphore_mem>>)
      %dma_wait3A_252 = arith.constant 0 : i32
      %dma_wait3A_253 = arith.constant 0 : i32
      %dma_wait3A_254 = arith.constant 0 : i32
      %dma_wait3A_255 = arith.constant 0 : i32
      %dma_wait3A_256 = tpu.memref_slice %arg6[%dma_wait3A_252, %dma_wait3A_254, %dma_wait3A_255] : memref<5x128x128xf32, #tpu.memory_space<vmem>> -> memref<1x128x128xf32, #tpu.memory_space<vmem>>
      %dma_wait3A_257 = tpu.memref_squeeze %dma_wait3A_256 : memref<1x128x128xf32, #tpu.memory_space<vmem>> -> memref<128x128xf32, #tpu.memory_space<vmem>>
      %dma_wait3A_258 = arith.constant 0 : i32
      %dma_wait3A_259 = tpu.memref_slice %arg4[%dma_wait3A_253, %mul3A_2, %dma_wait3A_258] : memref<50x4096x128xf32, #tpu.memory_space<hbm>> -> memref<1x128x128xf32, #tpu.memory_space<hbm>>
      %dma_wait3A_260 = tpu.memref_squeeze %dma_wait3A_259 : memref<1x128x128xf32, #tpu.memory_space<hbm>> -> memref<128x128xf32, #tpu.memory_space<hbm>>
      %dma_wait3A_261 = arith.constant 0 : i32
      %dma_wait3A_262 = tpu.memref_slice %arg4[%dma_wait3A_253, %mul3A_2, %dma_wait3A_261] : memref<50x4096x128xf32, #tpu.memory_space<hbm>> -> memref<1x128x128xf32, #tpu.memory_space<hbm>>
      %dma_wait3A_263 = tpu.memref_squeeze %dma_wait3A_262 : memref<1x128x128xf32, #tpu.memory_space<hbm>> -> memref<128x128xf32, #tpu.memory_space<hbm>>
      %dma_wait3A_264 = arith.constant 0 : i32
      %dma_wait3A_265 = arith.constant 0 : i32
      %dma_wait3A_266 = tpu.memref_slice %arg6[%dma_wait3A_252, %dma_wait3A_264, %dma_wait3A_265] : memref<5x128x128xf32, #tpu.memory_space<vmem>> -> memref<1x128x128xf32, #tpu.memory_space<vmem>>
      %dma_wait3A_267 = tpu.memref_squeeze %dma_wait3A_266 : memref<1x128x128xf32, #tpu.memory_space<vmem>> -> memref<128x128xf32, #tpu.memory_space<vmem>>
      tpu.wait_dma2 semaphore(%arg12 : memref<!tpu.dma_semaphore, #tpu.memory_space<semaphore_mem>>) src(%dma_wait3A_267 : memref<128x128xf32, #tpu.memory_space<vmem>>) dst(%dma_wait3A_263 : memref<128x128xf32, #tpu.memory_space<hbm>>)
      %lt3A = arith.constant 9 : i32
      %lt3A_268 = arith.cmpi slt, %scan3A_67, %lt3A : i32
      %convert_element_type3A = arith.extui %lt3A_268 : i1 to i32
      %cond3A = arith.constant 0 : i32
      %cond3A_269 = arith.cmpi ne, %convert_element_type3A, %cond3A : i32
      scf.if %cond3A_269 {
        %add3A_354 = arith.constant 1 : i32
        %add3A_355 = arith.addi %scan3A_67, %add3A_354 : i32
        %mul3A_356 = arith.constant 5 : i32
        %mul3A_357 = arith.muli %add3A_355, %mul3A_356 : i32
        %add3A_358 = arith.constant 0 : i32
        %add3A_359 = arith.addi %mul3A_357, %add3A_358 : i32
        %dma_start3A_360 = arith.constant 0 : i32
        %dma_start3A_361 = arith.constant 0 : i32
        %dma_start3A_362 = arith.constant 0 : i32
        %dma_start3A_363 = tpu.memref_slice %arg6[%dma_start3A_360, %dma_start3A_361, %dma_start3A_362] : memref<5x128x128xf32, #tpu.memory_space<vmem>> -> memref<1x128x128xf32, #tpu.memory_space<vmem>>
        %dma_start3A_364 = tpu.memref_squeeze %dma_start3A_363 : memref<1x128x128xf32, #tpu.memory_space<vmem>> -> memref<128x128xf32, #tpu.memory_space<vmem>>
        %dma_start3A_365 = arith.constant 0 : i32
        %dma_start3A_366 = tpu.memref_slice %arg5[%add3A_359, %dma_start3A_365] : memref<50x128xi32, #tpu.memory_space<vmem>> -> memref<1x128xi32, #tpu.memory_space<vmem>>
        %dma_start3A_367 = tpu.memref_squeeze %dma_start3A_366 : memref<1x128xi32, #tpu.memory_space<vmem>> -> memref<128xi32, #tpu.memory_space<vmem>>
        %dma_start3A_368 = arith.constant 0 : i32
        %dma_start3A_369 = arith.constant 0 : i32
        %dma_start3A_370 = tpu.memref_slice %arg3[%dma_start3A_368, %dma_start3A_369] : memref<100000x128xf32, #tpu.memory_space<hbm>> -> memref<100000x128xf32, #tpu.memory_space<hbm>>
        tpu.enqueue_indirect_dma source(%dma_start3A_370 : memref<100000x128xf32, #tpu.memory_space<hbm>>) target(%dma_start3A_364 : memref<128x128xf32, #tpu.memory_space<vmem>>) offsets(%dma_start3A_367 : memref<128xi32, #tpu.memory_space<vmem>>) semaphore(%arg7 : memref<!tpu.dma_semaphore, #tpu.memory_space<semaphore_mem>>)
      } else {
      }
      %dma_wait3A_270 = arith.constant 1 : i32
      %dma_wait3A_271 = arith.constant 0 : i32
      %dma_wait3A_272 = arith.constant 0 : i32
      %dma_wait3A_273 = arith.constant 0 : i32
      %dma_wait3A_274 = tpu.memref_slice %arg6[%dma_wait3A_270, %dma_wait3A_272, %dma_wait3A_273] : memref<5x128x128xf32, #tpu.memory_space<vmem>> -> memref<1x128x128xf32, #tpu.memory_space<vmem>>
      %dma_wait3A_275 = tpu.memref_squeeze %dma_wait3A_274 : memref<1x128x128xf32, #tpu.memory_space<vmem>> -> memref<128x128xf32, #tpu.memory_space<vmem>>
      %dma_wait3A_276 = arith.constant 0 : i32
      %dma_wait3A_277 = tpu.memref_slice %arg4[%dma_wait3A_271, %mul3A_2, %dma_wait3A_276] : memref<50x4096x128xf32, #tpu.memory_space<hbm>> -> memref<1x128x128xf32, #tpu.memory_space<hbm>>
      %dma_wait3A_278 = tpu.memref_squeeze %dma_wait3A_277 : memref<1x128x128xf32, #tpu.memory_space<hbm>> -> memref<128x128xf32, #tpu.memory_space<hbm>>
      %dma_wait3A_279 = arith.constant 0 : i32
      %dma_wait3A_280 = tpu.memref_slice %arg4[%dma_wait3A_271, %mul3A_2, %dma_wait3A_279] : memref<50x4096x128xf32, #tpu.memory_space<hbm>> -> memref<1x128x128xf32, #tpu.memory_space<hbm>>
      %dma_wait3A_281 = tpu.memref_squeeze %dma_wait3A_280 : memref<1x128x128xf32, #tpu.memory_space<hbm>> -> memref<128x128xf32, #tpu.memory_space<hbm>>
      %dma_wait3A_282 = arith.constant 0 : i32
      %dma_wait3A_283 = arith.constant 0 : i32
      %dma_wait3A_284 = tpu.memref_slice %arg6[%dma_wait3A_270, %dma_wait3A_282, %dma_wait3A_283] : memref<5x128x128xf32, #tpu.memory_space<vmem>> -> memref<1x128x128xf32, #tpu.memory_space<vmem>>
      %dma_wait3A_285 = tpu.memref_squeeze %dma_wait3A_284 : memref<1x128x128xf32, #tpu.memory_space<vmem>> -> memref<128x128xf32, #tpu.memory_space<vmem>>
      tpu.wait_dma2 semaphore(%arg13 : memref<!tpu.dma_semaphore, #tpu.memory_space<semaphore_mem>>) src(%dma_wait3A_285 : memref<128x128xf32, #tpu.memory_space<vmem>>) dst(%dma_wait3A_281 : memref<128x128xf32, #tpu.memory_space<hbm>>)
      %lt3A_286 = arith.constant 9 : i32
      %lt3A_287 = arith.cmpi slt, %scan3A_67, %lt3A_286 : i32
      %convert_element_type3A_288 = arith.extui %lt3A_287 : i1 to i32
      %cond3A_289 = arith.constant 0 : i32
      %cond3A_290 = arith.cmpi ne, %convert_element_type3A_288, %cond3A_289 : i32
      scf.if %cond3A_290 {
        %add3A_354 = arith.constant 1 : i32
        %add3A_355 = arith.addi %scan3A_67, %add3A_354 : i32
        %mul3A_356 = arith.constant 5 : i32
        %mul3A_357 = arith.muli %add3A_355, %mul3A_356 : i32
        %add3A_358 = arith.constant 1 : i32
        %add3A_359 = arith.addi %mul3A_357, %add3A_358 : i32
        %dma_start3A_360 = arith.constant 1 : i32
        %dma_start3A_361 = arith.constant 0 : i32
        %dma_start3A_362 = arith.constant 0 : i32
        %dma_start3A_363 = tpu.memref_slice %arg6[%dma_start3A_360, %dma_start3A_361, %dma_start3A_362] : memref<5x128x128xf32, #tpu.memory_space<vmem>> -> memref<1x128x128xf32, #tpu.memory_space<vmem>>
        %dma_start3A_364 = tpu.memref_squeeze %dma_start3A_363 : memref<1x128x128xf32, #tpu.memory_space<vmem>> -> memref<128x128xf32, #tpu.memory_space<vmem>>
        %dma_start3A_365 = arith.constant 0 : i32
        %dma_start3A_366 = tpu.memref_slice %arg5[%add3A_359, %dma_start3A_365] : memref<50x128xi32, #tpu.memory_space<vmem>> -> memref<1x128xi32, #tpu.memory_space<vmem>>
        %dma_start3A_367 = tpu.memref_squeeze %dma_start3A_366 : memref<1x128xi32, #tpu.memory_space<vmem>> -> memref<128xi32, #tpu.memory_space<vmem>>
        %dma_start3A_368 = arith.constant 0 : i32
        %dma_start3A_369 = arith.constant 0 : i32
        %dma_start3A_370 = tpu.memref_slice %arg3[%dma_start3A_368, %dma_start3A_369] : memref<100000x128xf32, #tpu.memory_space<hbm>> -> memref<100000x128xf32, #tpu.memory_space<hbm>>
        tpu.enqueue_indirect_dma source(%dma_start3A_370 : memref<100000x128xf32, #tpu.memory_space<hbm>>) target(%dma_start3A_364 : memref<128x128xf32, #tpu.memory_space<vmem>>) offsets(%dma_start3A_367 : memref<128xi32, #tpu.memory_space<vmem>>) semaphore(%arg8 : memref<!tpu.dma_semaphore, #tpu.memory_space<semaphore_mem>>)
      } else {
      }
      %dma_wait3A_291 = arith.constant 2 : i32
      %dma_wait3A_292 = arith.constant 0 : i32
      %dma_wait3A_293 = arith.constant 0 : i32
      %dma_wait3A_294 = arith.constant 0 : i32
      %dma_wait3A_295 = tpu.memref_slice %arg6[%dma_wait3A_291, %dma_wait3A_293, %dma_wait3A_294] : memref<5x128x128xf32, #tpu.memory_space<vmem>> -> memref<1x128x128xf32, #tpu.memory_space<vmem>>
      %dma_wait3A_296 = tpu.memref_squeeze %dma_wait3A_295 : memref<1x128x128xf32, #tpu.memory_space<vmem>> -> memref<128x128xf32, #tpu.memory_space<vmem>>
      %dma_wait3A_297 = arith.constant 0 : i32
      %dma_wait3A_298 = tpu.memref_slice %arg4[%dma_wait3A_292, %mul3A_2, %dma_wait3A_297] : memref<50x4096x128xf32, #tpu.memory_space<hbm>> -> memref<1x128x128xf32, #tpu.memory_space<hbm>>
      %dma_wait3A_299 = tpu.memref_squeeze %dma_wait3A_298 : memref<1x128x128xf32, #tpu.memory_space<hbm>> -> memref<128x128xf32, #tpu.memory_space<hbm>>
      %dma_wait3A_300 = arith.constant 0 : i32
      %dma_wait3A_301 = tpu.memref_slice %arg4[%dma_wait3A_292, %mul3A_2, %dma_wait3A_300] : memref<50x4096x128xf32, #tpu.memory_space<hbm>> -> memref<1x128x128xf32, #tpu.memory_space<hbm>>
      %dma_wait3A_302 = tpu.memref_squeeze %dma_wait3A_301 : memref<1x128x128xf32, #tpu.memory_space<hbm>> -> memref<128x128xf32, #tpu.memory_space<hbm>>
      %dma_wait3A_303 = arith.constant 0 : i32
      %dma_wait3A_304 = arith.constant 0 : i32
      %dma_wait3A_305 = tpu.memref_slice %arg6[%dma_wait3A_291, %dma_wait3A_303, %dma_wait3A_304] : memref<5x128x128xf32, #tpu.memory_space<vmem>> -> memref<1x128x128xf32, #tpu.memory_space<vmem>>
      %dma_wait3A_306 = tpu.memref_squeeze %dma_wait3A_305 : memref<1x128x128xf32, #tpu.memory_space<vmem>> -> memref<128x128xf32, #tpu.memory_space<vmem>>
      tpu.wait_dma2 semaphore(%arg14 : memref<!tpu.dma_semaphore, #tpu.memory_space<semaphore_mem>>) src(%dma_wait3A_306 : memref<128x128xf32, #tpu.memory_space<vmem>>) dst(%dma_wait3A_302 : memref<128x128xf32, #tpu.memory_space<hbm>>)
      %lt3A_307 = arith.constant 9 : i32
      %lt3A_308 = arith.cmpi slt, %scan3A_67, %lt3A_307 : i32
      %convert_element_type3A_309 = arith.extui %lt3A_308 : i1 to i32
      %cond3A_310 = arith.constant 0 : i32
      %cond3A_311 = arith.cmpi ne, %convert_element_type3A_309, %cond3A_310 : i32
      scf.if %cond3A_311 {
        %add3A_354 = arith.constant 1 : i32
        %add3A_355 = arith.addi %scan3A_67, %add3A_354 : i32
        %mul3A_356 = arith.constant 5 : i32
        %mul3A_357 = arith.muli %add3A_355, %mul3A_356 : i32
        %add3A_358 = arith.constant 2 : i32
        %add3A_359 = arith.addi %mul3A_357, %add3A_358 : i32
        %dma_start3A_360 = arith.constant 2 : i32
        %dma_start3A_361 = arith.constant 0 : i32
        %dma_start3A_362 = arith.constant 0 : i32
        %dma_start3A_363 = tpu.memref_slice %arg6[%dma_start3A_360, %dma_start3A_361, %dma_start3A_362] : memref<5x128x128xf32, #tpu.memory_space<vmem>> -> memref<1x128x128xf32, #tpu.memory_space<vmem>>
        %dma_start3A_364 = tpu.memref_squeeze %dma_start3A_363 : memref<1x128x128xf32, #tpu.memory_space<vmem>> -> memref<128x128xf32, #tpu.memory_space<vmem>>
        %dma_start3A_365 = arith.constant 0 : i32
        %dma_start3A_366 = tpu.memref_slice %arg5[%add3A_359, %dma_start3A_365] : memref<50x128xi32, #tpu.memory_space<vmem>> -> memref<1x128xi32, #tpu.memory_space<vmem>>
        %dma_start3A_367 = tpu.memref_squeeze %dma_start3A_366 : memref<1x128xi32, #tpu.memory_space<vmem>> -> memref<128xi32, #tpu.memory_space<vmem>>
        %dma_start3A_368 = arith.constant 0 : i32
        %dma_start3A_369 = arith.constant 0 : i32
        %dma_start3A_370 = tpu.memref_slice %arg3[%dma_start3A_368, %dma_start3A_369] : memref<100000x128xf32, #tpu.memory_space<hbm>> -> memref<100000x128xf32, #tpu.memory_space<hbm>>
        tpu.enqueue_indirect_dma source(%dma_start3A_370 : memref<100000x128xf32, #tpu.memory_space<hbm>>) target(%dma_start3A_364 : memref<128x128xf32, #tpu.memory_space<vmem>>) offsets(%dma_start3A_367 : memref<128xi32, #tpu.memory_space<vmem>>) semaphore(%arg9 : memref<!tpu.dma_semaphore, #tpu.memory_space<semaphore_mem>>)
      } else {
      }
      %dma_wait3A_312 = arith.constant 3 : i32
      %dma_wait3A_313 = arith.constant 0 : i32
      %dma_wait3A_314 = arith.constant 0 : i32
      %dma_wait3A_315 = arith.constant 0 : i32
      %dma_wait3A_316 = tpu.memref_slice %arg6[%dma_wait3A_312, %dma_wait3A_314, %dma_wait3A_315] : memref<5x128x128xf32, #tpu.memory_space<vmem>> -> memref<1x128x128xf32, #tpu.memory_space<vmem>>
      %dma_wait3A_317 = tpu.memref_squeeze %dma_wait3A_316 : memref<1x128x128xf32, #tpu.memory_space<vmem>> -> memref<128x128xf32, #tpu.memory_space<vmem>>
      %dma_wait3A_318 = arith.constant 0 : i32
      %dma_wait3A_319 = tpu.memref_slice %arg4[%dma_wait3A_313, %mul3A_2, %dma_wait3A_318] : memref<50x4096x128xf32, #tpu.memory_space<hbm>> -> memref<1x128x128xf32, #tpu.memory_space<hbm>>
      %dma_wait3A_320 = tpu.memref_squeeze %dma_wait3A_319 : memref<1x128x128xf32, #tpu.memory_space<hbm>> -> memref<128x128xf32, #tpu.memory_space<hbm>>
      %dma_wait3A_321 = arith.constant 0 : i32
      %dma_wait3A_322 = tpu.memref_slice %arg4[%dma_wait3A_313, %mul3A_2, %dma_wait3A_321] : memref<50x4096x128xf32, #tpu.memory_space<hbm>> -> memref<1x128x128xf32, #tpu.memory_space<hbm>>
      %dma_wait3A_323 = tpu.memref_squeeze %dma_wait3A_322 : memref<1x128x128xf32, #tpu.memory_space<hbm>> -> memref<128x128xf32, #tpu.memory_space<hbm>>
      %dma_wait3A_324 = arith.constant 0 : i32
      %dma_wait3A_325 = arith.constant 0 : i32
      %dma_wait3A_326 = tpu.memref_slice %arg6[%dma_wait3A_312, %dma_wait3A_324, %dma_wait3A_325] : memref<5x128x128xf32, #tpu.memory_space<vmem>> -> memref<1x128x128xf32, #tpu.memory_space<vmem>>
      %dma_wait3A_327 = tpu.memref_squeeze %dma_wait3A_326 : memref<1x128x128xf32, #tpu.memory_space<vmem>> -> memref<128x128xf32, #tpu.memory_space<vmem>>
      tpu.wait_dma2 semaphore(%arg15 : memref<!tpu.dma_semaphore, #tpu.memory_space<semaphore_mem>>) src(%dma_wait3A_327 : memref<128x128xf32, #tpu.memory_space<vmem>>) dst(%dma_wait3A_323 : memref<128x128xf32, #tpu.memory_space<hbm>>)
      %lt3A_328 = arith.constant 9 : i32
      %lt3A_329 = arith.cmpi slt, %scan3A_67, %lt3A_328 : i32
      %convert_element_type3A_330 = arith.extui %lt3A_329 : i1 to i32
      %cond3A_331 = arith.constant 0 : i32
      %cond3A_332 = arith.cmpi ne, %convert_element_type3A_330, %cond3A_331 : i32
      scf.if %cond3A_332 {
        %add3A_354 = arith.constant 1 : i32
        %add3A_355 = arith.addi %scan3A_67, %add3A_354 : i32
        %mul3A_356 = arith.constant 5 : i32
        %mul3A_357 = arith.muli %add3A_355, %mul3A_356 : i32
        %add3A_358 = arith.constant 3 : i32
        %add3A_359 = arith.addi %mul3A_357, %add3A_358 : i32
        %dma_start3A_360 = arith.constant 3 : i32
        %dma_start3A_361 = arith.constant 0 : i32
        %dma_start3A_362 = arith.constant 0 : i32
        %dma_start3A_363 = tpu.memref_slice %arg6[%dma_start3A_360, %dma_start3A_361, %dma_start3A_362] : memref<5x128x128xf32, #tpu.memory_space<vmem>> -> memref<1x128x128xf32, #tpu.memory_space<vmem>>
        %dma_start3A_364 = tpu.memref_squeeze %dma_start3A_363 : memref<1x128x128xf32, #tpu.memory_space<vmem>> -> memref<128x128xf32, #tpu.memory_space<vmem>>
        %dma_start3A_365 = arith.constant 0 : i32
        %dma_start3A_366 = tpu.memref_slice %arg5[%add3A_359, %dma_start3A_365] : memref<50x128xi32, #tpu.memory_space<vmem>> -> memref<1x128xi32, #tpu.memory_space<vmem>>
        %dma_start3A_367 = tpu.memref_squeeze %dma_start3A_366 : memref<1x128xi32, #tpu.memory_space<vmem>> -> memref<128xi32, #tpu.memory_space<vmem>>
        %dma_start3A_368 = arith.constant 0 : i32
        %dma_start3A_369 = arith.constant 0 : i32
        %dma_start3A_370 = tpu.memref_slice %arg3[%dma_start3A_368, %dma_start3A_369] : memref<100000x128xf32, #tpu.memory_space<hbm>> -> memref<100000x128xf32, #tpu.memory_space<hbm>>
        tpu.enqueue_indirect_dma source(%dma_start3A_370 : memref<100000x128xf32, #tpu.memory_space<hbm>>) target(%dma_start3A_364 : memref<128x128xf32, #tpu.memory_space<vmem>>) offsets(%dma_start3A_367 : memref<128xi32, #tpu.memory_space<vmem>>) semaphore(%arg10 : memref<!tpu.dma_semaphore, #tpu.memory_space<semaphore_mem>>)
      } else {
      }
      %dma_wait3A_333 = arith.constant 4 : i32
      %dma_wait3A_334 = arith.constant 0 : i32
      %dma_wait3A_335 = arith.constant 0 : i32
      %dma_wait3A_336 = arith.constant 0 : i32
      %dma_wait3A_337 = tpu.memref_slice %arg6[%dma_wait3A_333, %dma_wait3A_335, %dma_wait3A_336] : memref<5x128x128xf32, #tpu.memory_space<vmem>> -> memref<1x128x128xf32, #tpu.memory_space<vmem>>
      %dma_wait3A_338 = tpu.memref_squeeze %dma_wait3A_337 : memref<1x128x128xf32, #tpu.memory_space<vmem>> -> memref<128x128xf32, #tpu.memory_space<vmem>>
      %dma_wait3A_339 = arith.constant 0 : i32
      %dma_wait3A_340 = tpu.memref_slice %arg4[%dma_wait3A_334, %mul3A_2, %dma_wait3A_339] : memref<50x4096x128xf32, #tpu.memory_space<hbm>> -> memref<1x128x128xf32, #tpu.memory_space<hbm>>
      %dma_wait3A_341 = tpu.memref_squeeze %dma_wait3A_340 : memref<1x128x128xf32, #tpu.memory_space<hbm>> -> memref<128x128xf32, #tpu.memory_space<hbm>>
      %dma_wait3A_342 = arith.constant 0 : i32
      %dma_wait3A_343 = tpu.memref_slice %arg4[%dma_wait3A_334, %mul3A_2, %dma_wait3A_342] : memref<50x4096x128xf32, #tpu.memory_space<hbm>> -> memref<1x128x128xf32, #tpu.memory_space<hbm>>
      %dma_wait3A_344 = tpu.memref_squeeze %dma_wait3A_343 : memref<1x128x128xf32, #tpu.memory_space<hbm>> -> memref<128x128xf32, #tpu.memory_space<hbm>>
      %dma_wait3A_345 = arith.constant 0 : i32
      %dma_wait3A_346 = arith.constant 0 : i32
      %dma_wait3A_347 = tpu.memref_slice %arg6[%dma_wait3A_333, %dma_wait3A_345, %dma_wait3A_346] : memref<5x128x128xf32, #tpu.memory_space<vmem>> -> memref<1x128x128xf32, #tpu.memory_space<vmem>>
      %dma_wait3A_348 = tpu.memref_squeeze %dma_wait3A_347 : memref<1x128x128xf32, #tpu.memory_space<vmem>> -> memref<128x128xf32, #tpu.memory_space<vmem>>
      tpu.wait_dma2 semaphore(%arg16 : memref<!tpu.dma_semaphore, #tpu.memory_space<semaphore_mem>>) src(%dma_wait3A_348 : memref<128x128xf32, #tpu.memory_space<vmem>>) dst(%dma_wait3A_344 : memref<128x128xf32, #tpu.memory_space<hbm>>)
      %lt3A_349 = arith.constant 9 : i32
      %lt3A_350 = arith.cmpi slt, %scan3A_67, %lt3A_349 : i32
      %convert_element_type3A_351 = arith.extui %lt3A_350 : i1 to i32
      %cond3A_352 = arith.constant 0 : i32
      %cond3A_353 = arith.cmpi ne, %convert_element_type3A_351, %cond3A_352 : i32
      scf.if %cond3A_353 {
        %add3A_354 = arith.constant 1 : i32
        %add3A_355 = arith.addi %scan3A_67, %add3A_354 : i32
        %mul3A_356 = arith.constant 5 : i32
        %mul3A_357 = arith.muli %add3A_355, %mul3A_356 : i32
        %add3A_358 = arith.constant 4 : i32
        %add3A_359 = arith.addi %mul3A_357, %add3A_358 : i32
        %dma_start3A_360 = arith.constant 4 : i32
        %dma_start3A_361 = arith.constant 0 : i32
        %dma_start3A_362 = arith.constant 0 : i32
        %dma_start3A_363 = tpu.memref_slice %arg6[%dma_start3A_360, %dma_start3A_361, %dma_start3A_362] : memref<5x128x128xf32, #tpu.memory_space<vmem>> -> memref<1x128x128xf32, #tpu.memory_space<vmem>>
        %dma_start3A_364 = tpu.memref_squeeze %dma_start3A_363 : memref<1x128x128xf32, #tpu.memory_space<vmem>> -> memref<128x128xf32, #tpu.memory_space<vmem>>
        %dma_start3A_365 = arith.constant 0 : i32
        %dma_start3A_366 = tpu.memref_slice %arg5[%add3A_359, %dma_start3A_365] : memref<50x128xi32, #tpu.memory_space<vmem>> -> memref<1x128xi32, #tpu.memory_space<vmem>>
        %dma_start3A_367 = tpu.memref_squeeze %dma_start3A_366 : memref<1x128xi32, #tpu.memory_space<vmem>> -> memref<128xi32, #tpu.memory_space<vmem>>
        %dma_start3A_368 = arith.constant 0 : i32
        %dma_start3A_369 = arith.constant 0 : i32
        %dma_start3A_370 = tpu.memref_slice %arg3[%dma_start3A_368, %dma_start3A_369] : memref<100000x128xf32, #tpu.memory_space<hbm>> -> memref<100000x128xf32, #tpu.memory_space<hbm>>
        tpu.enqueue_indirect_dma source(%dma_start3A_370 : memref<100000x128xf32, #tpu.memory_space<hbm>>) target(%dma_start3A_364 : memref<128x128xf32, #tpu.memory_space<vmem>>) offsets(%dma_start3A_367 : memref<128xi32, #tpu.memory_space<vmem>>) semaphore(%arg11 : memref<!tpu.dma_semaphore, #tpu.memory_space<semaphore_mem>>)
      } else {
      }
    }
    %scan3A_66 = arith.constant 10 : i32
    return
  }
}

</mosaic_0001>

<sc_bundles>
// kernel: kernel.3.cloned.1.call-start
scs
__scs_entry_jumppad:
0x0: {  	(pc) =	sbr.rel $0x88, $3  }
0x1: {  	(tag) =	ssettag $0x0;
	lr =	simm.s32 $0x1  }
0x2: {  	[smem:$0x3F9F] =	sst lr;
	_ =	strace $0xD0000000  }
0x3: {  	_ = 	snop  }
0x4: {  	_ = 	snop  }
0x5: {  	_ = 	snop  }
0x6: {  	_ = 	snop  }
0x7: {  	_ = 	snop  }
__scs_overlays_trampoline_lowered:
0x8: {  	[smem:$0x3FAE] =	sst s0  }
0x9: {  	[smem:$0x3FAF] =	sst s1  }
0xa: {  	[smem:$0x3FB0] =	sst s2  }
0xb: {  	[smem:$0x3FB1] =	sst s3  }
0xc: {  	[smem:$0x3FB2] =	sst s4  }
0xd: {  	[smem:$0x3FB3] =	sst s5  }
0xe: {  	[smem:$0x3FB4] =	sst s6  }
0xf: {  	[smem:$0x3FB5] =	sst s7  }
0x10: {  	[smem:$0x3FB6] =	sst s8  }
0x11: {  	[smem:$0x3FB7] =	sst s9;
	s0 =	simm.s32 @!p0 $0x0  }
0x12: {  	s1 =	sld [smem:$0x3F9D];
	s0 =	simm.s32 @p0 $0x1  }
0x13: {  	[smem:$0x3FB8] =	sst s0;
	s0 =	simm.s32 @!p1 $0x0  }
0x14: {  	s2 =	sld [smem:$0x3F9C];
	s0 =	simm.s32 @p1 $0x1  }
0x15: {  	[smem:$0x3FB9] =	sst s0;
	s0 =	simm.s32 @!p2 $0x0  }
0x16: {  	s3 =	sld [smem:$0x3FDB];
	s0 =	simm.s32 @p2 $0x1  }
0x17: {  	s4 =	simm.s32 $0x1BF5;
	[smem:$0x3FBB] =	sst s0  }
0x18: {  	s0 =	sld [smem:$0x3F9E];
	_ =	swait.ge [sflag:s4], $0x0  }
0x19: {  	s7 =	sld [smem:$0x3F9F]  }
0x1a: {  	s8 =	sadd.s32 $0xFFFFE003, lr  }
0x1b: {  	s9 =	sadd.s32 $0xFFFFFEF7, lr;
	s5 =	simm.s32 $0xFFFFFFFF;
	p2 =	slt.u32 s8, $0xFFFFF086  }
0x1c: {  	p1 =	slt.u32 s9, $0xF7A;
	s5 =	simm.s32 @!p2 $0x0  }
0x1d: {  	s5 =	simm.s32 @p1 $0x1;
	p0 =	seq.s32 s7, s2  }
0x1e: {  	s7 =	smul.u32 @!p0 $0xF7A, s2;
	p2 =	seq.s32 @!p0 s5, $0x0  }
0x1f: {  	s9 =	smul.u32 $0xF7A, s1;
	s8 =	simm.s32 @!p0 $0x1BF5;
	p2 =	por !p2, p0  }
0x20: {  	[sflag:s8] =	ssyncset.s32 @!p0 $0xFFFFF086;
	s6 =	sadd.s32 @!p0 s3, s7;
	s7 =	simm.s32 @!p0 $0x108  }
0x21: {  	s3 =	sadd.s32 s3, s9;
	s6 =	sadd.s32 @!p0 $0x88, s6;
	s7 =	simm.s32 @p2 $0x1082  }
0x22: {  	[simem:s7], [sflag:s8] =	dma.local @!p0 [hbm:s6], $0xF7A  }
0x23: {  	s9 =	sor.u32 $0xD0000000, s2;
	s6 =	simm.s32 $0x108;
	_ =	swait.ge @!p0 [sflag:s8], $0x0  }
0x24: {  	s3 =	sadd.s32 $0x88, s3;
	s6 =	simm.s32 @!p1 $0x1082;
	[sflag:s4] =	ssyncset.s32 $0xFFFFF086  }
0x25: {  	[simem:s6], [sflag:s4] =	dma.local [hbm:s3], $0xF7A  }
0x26: {  	[smem:$0x3F9F] =	sst s1;
	(tag) =	ssettag s2;
	_ =	strace s9  }
0x27: {  	s1 =	sld [smem:$0x3FAF]  }
0x28: {  	s2 =	sld [smem:$0x3FB0]  }
0x29: {  	s4 =	sld [smem:$0x3FB2]  }
0x2a: {  	p0 =	seq.s32 s5, $0x0;
	s5 =	sld [smem:$0x3FB3]  }
0x2b: {  	s6 =	sld [smem:$0x3FB4]  }
0x2c: {  	s7 =	sld [smem:$0x3FB5]  }
0x2d: {  	s3 =	simm.s32 $0x108;
	s8 =	sld [smem:$0x3FB6]  }
0x2e: {  	s3 =	simm.s32 @!p0 $0x1082;
	s9 =	sld [smem:$0x3FB7]  }
0x2f: {  	lr =	sadd.s32 s0, s3;
	s0 =	sld [smem:$0x3FAE]  }
0x30: {  	s3 =	sld [smem:$0x3FB1]  }
0x31: {  	[smem:$0x3FBA] =	sst s10  }
0x32: {  	s10 =	sld [smem:$0x3FB8];
	_ =	sdelay $0x3  }
0x33: {  	p0 =	seq.s32 s10, $0x1;
	s10 =	sld [smem:$0x3FBA];
	_ =	sdelay $0x3  }
0x34: {  	[smem:$0x3FBA] =	sst s10  }
0x35: {  	s10 =	sld [smem:$0x3FB9];
	_ =	sdelay $0x3  }
0x36: {  	p1 =	seq.s32 s10, $0x1;
	s10 =	sld [smem:$0x3FBA];
	_ =	sdelay $0x3  }
0x37: {  	[smem:$0x3FBA] =	sst s10  }
0x38: {  	s10 =	sld [smem:$0x3FBB]  }
0x39: {  	_ = 	snop;
	(pc) =	sbr.ind lr, $3  }
0x3a: {  	_ = 	snop  }
0x3b: {  	_ = 	snop  }
0x3c: {  	p2 =	seq.s32 s10, $0x1;
	s10 =	sld [smem:$0x3FBA]  }
0x3d: {  	_ =	shalt  }
0x3e: {  	_ =	shalt  }
0x3f: {  	_ =	shalt  }
0x40: {  	_ =	shalt  }
0x41: {  	_ =	shalt  }
0x42: {  	_ =	shalt  }
0x43: {  	_ =	shalt  }
0x44: {  	_ =	shalt  }
0x45: {  	_ =	shalt  }
0x46: {  	_ =	shalt  }
0x47: {  	_ =	shalt  }
0x48: {  	_ =	shalt  }
0x49: {  	_ =	shalt  }
0x4a: {  	_ =	shalt  }
0x4b: {  	_ =	shalt  }
0x4c: {  	_ =	shalt  }
0x4d: {  	_ =	shalt  }
0x4e: {  	_ =	shalt  }
0x4f: {  	_ =	shalt  }
0x50: {  	_ =	shalt  }
0x51: {  	_ =	shalt  }
0x52: {  	_ =	shalt  }
0x53: {  	_ =	shalt  }
0x54: {  	_ =	shalt  }
0x55: {  	_ =	shalt  }
0x56: {  	_ =	shalt  }
0x57: {  	_ =	shalt  }
0x58: {  	_ =	shalt  }
0x59: {  	_ =	shalt  }
0x5a: {  	_ =	shalt  }
0x5b: {  	_ =	shalt  }
0x5c: {  	_ =	shalt  }
0x5d: {  	_ =	shalt  }
0x5e: {  	_ =	shalt  }
0x5f: {  	_ =	shalt  }
0x60: {  	_ =	shalt  }
0x61: {  	_ =	shalt  }
0x62: {  	_ =	shalt  }
0x63: {  	_ =	shalt  }
0x64: {  	_ =	shalt  }
0x65: {  	_ =	shalt  }
0x66: {  	_ =	shalt  }
0x67: {  	_ =	shalt  }
0x68: {  	_ =	shalt  }
0x69: {  	_ =	shalt  }
0x6a: {  	_ =	shalt  }
0x6b: {  	_ =	shalt  }
0x6c: {  	_ =	shalt  }
0x6d: {  	_ =	shalt  }
0x6e: {  	_ =	shalt  }
0x6f: {  	_ =	shalt  }
0x70: {  	_ =	shalt  }
0x71: {  	_ =	shalt  }
0x72: {  	_ =	shalt  }
0x73: {  	_ =	shalt  }
0x74: {  	_ =	shalt  }
0x75: {  	_ =	shalt  }
0x76: {  	_ =	shalt  }
0x77: {  	_ =	shalt  }
0x78: {  	_ =	shalt  }
0x79: {  	_ =	shalt  }
0x7a: {  	_ =	shalt  }
0x7b: {  	_ =	shalt  }
0x7c: {  	_ =	shalt  }
0x7d: {  	_ =	shalt  }
0x7e: {  	_ =	shalt  }
0x7f: {  	_ =	shalt  }
0x80: {  	_ =	shalt  }
0x81: {  	_ =	shalt  }
0x82: {  	_ =	shalt  }
0x83: {  	_ =	shalt  }
0x84: {  	_ =	shalt  }
0x85: {  	_ =	shalt  }
0x86: {  	_ =	shalt  }
0x87: {  	_ =	shalt  }
.Lfunc_end0:
.L_simem_size_0:
called_computation_lowered:
.L_overlay_start_0:
0x88: {  	s2 =	sld [smem:$0x3FD9]  }
0x89: {  	s3 =	sld [smem:$0x3FFE];
	_ =	sdelay $0x1  }
0x8a: {  	s1 =	srdreg.scid  }
0x8b: {  	s0 =	sand.u32 $0x1, s1  }
0x8c: {  	s18 =	sshll.u32 s0, $0xA;
	s2 =	sadd.s32 s3, s2  }
0x8d: {  	s2 =	sadd.s32 s2, s18  }
0x8e: {  	[smem:$0x3FC6] =	sst s2  }
0x8f: {  	_ = 	snop  }
0x90: {  	s2 =	sld [smem:$0x3FC9]  }
0x91: {  	s19 =	sld [smem:$0x3FC8]  }
0x92: {  	s4 =	sld [smem:$0x3FD0];
	(tm) =	ssettm $0x1  }
0x93: {  	s5 =	sld [smem:$0x3FFB];
	_ =	sdelay $0x3  }
0x94: {  	_ =	strace s5  }
0x95: {  	s5 =	sld [smem:$0x3FFC];
	_ =	sdelay $0x3  }
0x96: {  	_ =	strace s5  }
0x97: {  	s5 =	sld [smem:$0x3FFD];
	_ =	sdelay $0x3  }
0x98: {  	_ =	strace s5  }
0x99: {  	_ =	strace $0x8FFFFFFF  }
0x9a: {  	s20 =	sld [smem:$0x3FDB];
	_ =	sdelay $0x1  }
0x9b: {  	s6 =	simm.s32 $_scs_section_size  }
0x9c: {  	s7 =	simm.s32 $_size__tile_overlayer_lowered;
	s8 =	simm.s32 $_tile_overlayer_lowered  }
0x9d: {  	s23 =	simm.s32 $0x1BFF;
	s22 =	sshll.u32 s8, $0x1;
	s5 =	sadd.s32 s6, s20  }
0x9e: {  	s9 =	simm.s32 $0x0;
	s21 =	sshll.u32 s7, $0x1;
	s7 =	sadd.s32 s22, s5  }
0x9f: {  	[timem:s9], [sflag:s23] =	dma.local [hbm:s7], s21  }
0xa0: {  	_ =	swait.ge [sflag:s23], s21  }
0xa1: {  	s6 =	ssub.s32 $0x0, s21;
	[sflag:s23] =	ssyncset.done $0x0  }
0xa2: {  	[sflag:s23] =	ssyncadd.s32 s6;
	_ =	sdelay $0x1  }
0xa3: {  	s24 =	simm.s32 $0x1B8B  }
0xa4: {  	_ =	swait.ge [sflag:s24], $0x1  }
0xa5: {  	[sflag:s24] =	ssyncset.done $0x0  }
0xa6: {  	s25 =	simm.s32 $0x1B8E;
	[sflag:s24] =	ssyncadd.s32 $0xFFFFFFFF  }
0xa7: {  	s26 =	simm.s32 $execute0_lowered;
	[smem:$0x3FD2] =	sst s25  }
0xa8: {  	s6 =	sshll.u32 s26, $0x1;
	_ =	strace $0x80000046;
	[dreg:$0x1] =	wrdreg $0xFFFFFFFF  }
0xa9: {  	s28 =	simm.s32 $_size_execute0_lowered;
	s5 =	sadd.s32 s5, s6;
	[dreg:$0x0] =	wrdreg $0x0  }
0xaa: {  	s6 =	sshll.u32 s28, $0x1;
	[dreg:$0x2] =	wrdreg s5  }
0xab: {  	[dreg:$0x3] =	wrdreg s6  }
0xac: {  	[dreg:$0x4] =	wrdreg $0xC0  }
0xad: {  	_ =	task [dreg:s9], $0x5FFFF  }
0xae: {  	[dreg:$0x1] =	wrdreg $0xFFFFFFFF  }
0xaf: {  	[dreg:$0x0] =	wrdreg $0x60  }
0xb0: {  	[dreg:$0x2] =	wrdreg s2  }
0xb1: {  	[dreg:$0x3] =	wrdreg s19  }
0xb2: {  	[dreg:$0x4] =	wrdreg s4  }
0xb3: {  	[dreg:$0x5] =	wrdreg $0x9  }
0xb4: {  	_ =	task.clear_ibuf [dreg:s9], $0x6FFFF;
	_ =	strace $0x90000046  }
0xb5: {  	s29 =	simm.s32 $0x9;
	_ =	strace $0x80000048  }
0xb6: {  	_ =	swait.ge [sflag:s29], $0x1  }
0xb7: {  	[sflag:s29] =	ssyncadd.s32 $0xFFFFFFFF  }
0xb8: {  	_ =	strace $0x90000048  }
0xb9: {  	_ =	sfence  }
0xba: {  	s30 =	sld [smem:$0x0];
	_ =	sdelay $0x2  }
0xbb: {  	s31 =	sshll.u32 s1, $0xD;
	s1 =	sshrl.u32 s1, $0x2  }
0xbc: {  	s3 =	sand.u32 $0x4000, s31;
	s1 =	sadd.s32 s1, s30  }
0xbd: {  	s0 =	sor.u32 s3, s0;
	s1 =	sshll.u32 s1, $0x11  }
0xbe: {  	s0 =	sor.u32 s1, s0  }
0xbf: {  	s0 =	sadd.s32 $0x8F2B, s0  }
0xc0: {  	[sflag:s0] =	ssyncadd.remote.s32 $0x1  }
0xc1: {  	_ =	sfence.sel $0xFFFF  }
0xc2: {  	[dreg:$0x0] =	wrdreg $0xFFFFFFFF;
	(pc) =	sbr.abs _section_cstart, $3  }
0xc3: {  	[dreg:$0x1] =	wrdreg $0xFFFFFFFF  }
0xc4: {  	_ =	task.clear_ibuf [dreg:s9], $0x2FFFF;
	_ =	strace $0x9FFFFFFF  }
0xc5: {  	(tm) =	ssettm $0x7FFFFFFF  }
tec
execute0_lowered:
.L_overlay_start_1:
0x0: {  	(tag) =	ssettag $0x1  }
0x1: {  	s0 =	rddreg [dreg:$0x0]  }
0x2: {  	s1 =	rddreg [dreg:$0x1]  }
0x3: {  	s2 =	rddreg [dreg:$0x2]  }
0x4: {  	s4 =	simm.s32 $0x0;
	s3 =	srdreg.scid;
	s6 =	stileid.u32  }
0x5: {  	s16 =	simm.s32 $0xB;
	s17 =	simm.s32 $0x80;
	s18 =	simm.s32 $0x1C00  }
0x6: {  	s19 =	simm.s32 $0x5C00;
	s21 =	simm.s32 $0x9C00;
	s23 =	simm.s32 $0xDC00  }
0x7: {  	s25 =	simm.s32 $0x11C00;
	s28 =	simm.s32 $0x2;
	s29 =	simm.s32 $0x3  }
0x8: {  	s30 =	simm.s32 $0x4;
	s31 =	simm.s32 $0x5;
	s13 =	simm.s32 $0x8  }
0x9: {  	s14 =	simm.s32 $0x9;
	s15 =	simm.s32 $0xA;
	s3 =	sand.u32 $0x1, s3  }
0xa: {  	s20 =	simm.s32 $0x0;
	[smem:$0x7FF] =	sst s4;
	s5 =	ssub.s32 $0x2, s3  }
0xb: {  	s6 =	sshll.u32 s6, $0x8;
	s3 =	sshll.u32 s3, $0x7;
	s7 =	sshrl.u32 s5, $0x1  }
0xc: {  	_ =	strace $0x80000047;
	s3 =	sor.u32 s3, s6;
	s7 =	ssub.s32 s5, s7  }
.Ltmp0:
0xd: {  	s0 =	sadd.s32 s0, s3;
	s6 =	sshll.u32 s3, $0x7;
	(pc) =	sbr.rel .LBB2_1-.Ltmp0, $4  }
0xe: {  	s3 =	simm.s32 $0x7;
	[dreg:$0x4] =	wrdreg s0;
	s0 =	sadd.s32 $0x6000, s0  }
0xf: {  	s8 =	sor.u32 $0x80000, s6;
	s9 =	sor.u32 $0x100000, s6;
	s10 =	sor.u32 $0x180000, s6  }
0x10: {  	s11 =	sor.u32 $0x200000, s6;
	s26 =	smax.u32 s7, $0x1;
	[dreg:$0x5] =	wrdreg s0  }
0x11: {  	[dreg:$0x6] =	wrdreg s26;
	s26 =	simm.s32 $0x1;
	s0 =	simm.s32 $0x6  }
.LBB2_14:
0x12: {  	_ =	swait.ge [sflag:s3], $0x4000  }
0x13: {  	[sflag:s3] =	ssyncset.done $0x0  }
0x14: {  	[sflag:s3] =	ssyncadd.s32 $0xFFFFC000  }
0x15: {  	_ =	swait.ge [sflag:s13], $0x4000  }
0x16: {  	[sflag:s13] =	ssyncset.done $0x0  }
0x17: {  	[sflag:s13] =	ssyncadd.s32 $0xFFFFC000  }
0x18: {  	_ =	swait.ge [sflag:s14], $0x4000  }
0x19: {  	[sflag:s14] =	ssyncset.done $0x0  }
0x1a: {  	[sflag:s14] =	ssyncadd.s32 $0xFFFFC000  }
0x1b: {  	_ =	swait.ge [sflag:s15], $0x4000  }
0x1c: {  	s20 =	sadd.s32 $0x1, s20;
	s5 =	rddreg [dreg:$0x6]  }
0x1d: {  	p0 =	sne.s32 s20, s5  }
.Ltmp1:
0x1e: {  	_ = 	snop;
	(pc) =	sbr.rel @!p0 .LBB2_15-.Ltmp1, $3  }
0x1f: {  	_ =	sdelay $0x1  }
0x20: {  	[sflag:s15] =	ssyncset.done $0x0  }
0x21: {  	[sflag:s15] =	ssyncadd.s32 $0xFFFFC000  }
.LBB2_1:
0x22: {  	s5 =	rddreg [dreg:$0x4];
	s7 =	simm.s32 $0x400;
	s12 =	simm.s32 $0x8000  }
0x23: {  	[tilespmem:s4], [sflag:$0xB] =	stream.strided.gather [hbm4b:s5+s7], $0x1800, s12, s7, $0x38;
	[tilespmem:$0x15C00] =	vst v63  }
0x24: {  	s22 =	rddreg [dreg:$0x5];
	s24 =	simm.s32 $0x1800  }
0x25: {  	[tilespmem:s24], [sflag:$0xB] =	stream.linear.gather [hbm4b:s22+s4], $0x100, $0x38;
	[tilespmem:$0x15C00] =	vst v63  }
0x26: {  	_ =	swait.ge [sflag:s16], $0x1900  }
0x27: {  	[sflag:s16] =	ssyncset.done $0x0  }
0x28: {  	[sflag:s16] =	ssyncadd.s32 $0xFFFFE700  }
0x29: {  	[tilespmem:s18], [sflag:$0x1] =	stream.indirect.gather [hbm4b:s1+s17], $0x80, s4, s17, $0xb8;
	[tilespmem:$0x15C00] =	vst v63  }
0x2a: {  	_ = 	snop  }
0x2b: {  	[tilespmem:s19], [sflag:$0x2] =	stream.indirect.gather [hbm4b:s1+s17], $0x80, s17, s17, $0xb8;
	[tilespmem:$0x15C00] =	vst v63  }
0x2c: {  	s12 =	simm.s32 $0x100  }
0x2d: {  	[tilespmem:s21], [sflag:$0x3] =	stream.indirect.gather [hbm4b:s1+s17], $0x80, s12, s17, $0xb8;
	[tilespmem:$0x15C00] =	vst v63  }
0x2e: {  	s22 =	simm.s32 $0x180  }
0x2f: {  	[tilespmem:s23], [sflag:$0x4] =	stream.indirect.gather [hbm4b:s1+s17], $0x80, s22, s17, $0xb8;
	[tilespmem:$0x15C00] =	vst v63  }
0x30: {  	s24 =	simm.s32 $0x200;
	s22 =	simm.s32 $0x0  }
0x31: {  	[tilespmem:s25], [sflag:$0x5] =	stream.indirect.gather [hbm4b:s1+s17], $0x80, s24, s17, $0xb8;
	[tilespmem:$0x15C00] =	vst v63  }
.LBB2_2:
0x32: {  	_ =	swait.ge [sflag:s26], $0x4000  }
0x33: {  	[sflag:s26] =	ssyncset.done $0x0  }
0x34: {  	s7 =	simm.s32 $0x0;
	[sflag:s26] =	ssyncadd.s32 $0xFFFFC000  }
0x35: {  	v2 =	vld [tilespmem:s7+$0x1C00]  }
0x36: {  	v5 =	vld [tilespmem:s7+$0x1C10]  }
0x37: {  	v4 =	vld [tilespmem:s7+$0x1C20]  }
0x38: {  	v3 =	vld [tilespmem:s7+$0x1C30]  }
0x39: {  	v0 =	vld [tilespmem:s7+$0x1C40]  }
0x3a: {  	v1 =	vld [tilespmem:s7+$0x1C50];
	v6 =	vmul.f32 $1.131370830e+01, v2  }
0x3b: {  	s24 =	simm.s32 $0x200;
	v5 =	vmul.f32 $1.131370830e+01, v5;
	v2 =	vld [tilespmem:s7+$0x1C60]  }
.LBB2_3:
0x3c: {  	s12 =	sshra.s32 s24, $0x2;
	p0 =	sne.s32 s24, $0xFE00;
	[tilespmem:s7+$0x1C00] =	vst v6;
	v4 =	vmul.f32 $1.131370830e+01, v4;
	v6 =	vld [tilespmem:s7+$0x1C70]  }
0x3d: {  	v7 =	vld [tilespmem:s12+$0x1C00];
	[tilespmem:s7+$0x1C10] =	vst v5;
	v3 =	vmul.f32 $1.131370830e+01, v3  }
0x3e: {  	v5 =	vld [tilespmem:s12+$0x1C10];
	[tilespmem:s7+$0x1C20] =	vst v4;
	v0 =	vmul.f32 $1.131370830e+01, v0  }
.Ltmp2:
0x3f: {  	v4 =	vld [tilespmem:s12+$0x1C20];
	[tilespmem:s7+$0x1C30] =	vst v3;
	v1 =	vmul.f32 $1.131370830e+01, v1;
	(pc) =	sbr.rel @p0 .LBB2_3-.Ltmp2, $4  }
0x40: {  	v3 =	vld [tilespmem:s12+$0x1C30];
	[tilespmem:s7+$0x1C40] =	vst v0;
	v2 =	vmul.f32 $1.131370830e+01, v2  }
0x41: {  	v0 =	vld [tilespmem:s12+$0x1C40];
	[tilespmem:s7+$0x1C50] =	vst v1;
	v8 =	vmul.f32 $1.131370830e+01, v6  }
0x42: {  	v6 =	vmul.f32 $1.131370830e+01, v7;
	v1 =	vld [tilespmem:s12+$0x1C50];
	[tilespmem:s7+$0x1C60] =	vst v2  }
0x43: {  	s24 =	sadd.s32 $0x200, s24;
	v5 =	vmul.f32 $1.131370830e+01, v5;
	v2 =	vld [tilespmem:s12+$0x1C60];
	[tilespmem:s7+$0x1C70] =	vst v8;
	s7 =	smov.u32 s12  }
0x44: {  	[tilespmem:s7+$0x1C00] =	vst v6;
	v4 =	vmul.f32 $1.131370830e+01, v4;
	v6 =	vld [tilespmem:s7+$0x1C70]  }
0x45: {  	[tilespmem:s7+$0x1C10] =	vst v5;
	v3 =	vmul.f32 $1.131370830e+01, v3  }
0x46: {  	[tilespmem:s7+$0x1C20] =	vst v4;
	v0 =	vmul.f32 $1.131370830e+01, v0  }
0x47: {  	s24 =	smul.u32 $0x280000, s22;
	[tilespmem:s7+$0x1C30] =	vst v3;
	v1 =	vmul.f32 $1.131370830e+01, v1  }
0x48: {  	[tilespmem:s7+$0x1C40] =	vst v0;
	v0 =	vmul.f32 $1.131370830e+01, v2  }
0x49: {  	s12 =	sor.u32 s6, s24;
	[tilespmem:s7+$0x1C50] =	vst v1;
	v1 =	vmul.f32 $1.131370830e+01, v6  }
0x4a: {  	s12 =	sshrl.u32 s12, $0x3;
	[tilespmem:s7+$0x1C60] =	vst v0  }
0x4b: {  	s5 =	simm.s32 $0x0;
	s12 =	sadd.s32 s2, s12;
	[tilespmem:s7+$0x1C70] =	vst v1  }
0x4c: {  	[hbm4b:s12+s5] =	stream.linear.scatter [tilespmem:s18], [sflag:$0x6], $0x4000, $0x38;
	[tilespmem:$0x15C00] =	vst v63  }
0x4d: {  	_ =	swait.ge [sflag:s28], $0x4000  }
0x4e: {  	[sflag:s28] =	ssyncset.done $0x0  }
0x4f: {  	s7 =	simm.s32 $0x0;
	[sflag:s28] =	ssyncadd.s32 $0xFFFFC000  }
0x50: {  	v3 =	vld [tilespmem:s7+$0x5C00]  }
0x51: {  	v5 =	vld [tilespmem:s7+$0x5C10]  }
0x52: {  	v4 =	vld [tilespmem:s7+$0x5C20]  }
0x53: {  	v2 =	vld [tilespmem:s7+$0x5C30]  }
0x54: {  	v0 =	vld [tilespmem:s7+$0x5C40]  }
0x55: {  	v1 =	vld [tilespmem:s7+$0x5C50];
	v6 =	vmul.f32 $1.131370830e+01, v3  }
0x56: {  	s12 =	simm.s32 $0x200;
	v5 =	vmul.f32 $1.131370830e+01, v5;
	v3 =	vld [tilespmem:s7+$0x5C60]  }
.LBB2_5:
0x57: {  	s5 =	sshra.s32 s12, $0x2;
	p0 =	sne.s32 s12, $0xFE00;
	[tilespmem:s7+$0x5C00] =	vst v6;
	v4 =	vmul.f32 $1.131370830e+01, v4;
	v6 =	vld [tilespmem:s7+$0x5C70]  }
0x58: {  	v7 =	vld [tilespmem:s5+$0x5C00];
	[tilespmem:s7+$0x5C10] =	vst v5;
	v2 =	vmul.f32 $1.131370830e+01, v2  }
0x59: {  	v5 =	vld [tilespmem:s5+$0x5C10];
	[tilespmem:s7+$0x5C20] =	vst v4;
	v0 =	vmul.f32 $1.131370830e+01, v0  }
.Ltmp3:
0x5a: {  	v4 =	vld [tilespmem:s5+$0x5C20];
	[tilespmem:s7+$0x5C30] =	vst v2;
	v1 =	vmul.f32 $1.131370830e+01, v1;
	(pc) =	sbr.rel @p0 .LBB2_5-.Ltmp3, $4  }
0x5b: {  	v2 =	vld [tilespmem:s5+$0x5C30];
	[tilespmem:s7+$0x5C40] =	vst v0;
	v3 =	vmul.f32 $1.131370830e+01, v3  }
0x5c: {  	v0 =	vld [tilespmem:s5+$0x5C40];
	[tilespmem:s7+$0x5C50] =	vst v1;
	v8 =	vmul.f32 $1.131370830e+01, v6  }
0x5d: {  	v6 =	vmul.f32 $1.131370830e+01, v7;
	v1 =	vld [tilespmem:s5+$0x5C50];
	[tilespmem:s7+$0x5C60] =	vst v3  }
0x5e: {  	s12 =	sadd.s32 $0x200, s12;
	v5 =	vmul.f32 $1.131370830e+01, v5;
	v3 =	vld [tilespmem:s5+$0x5C60];
	[tilespmem:s7+$0x5C70] =	vst v8;
	s7 =	smov.u32 s5  }
0x5f: {  	[tilespmem:s7+$0x5C00] =	vst v6;
	v4 =	vmul.f32 $1.131370830e+01, v4;
	v6 =	vld [tilespmem:s7+$0x5C70]  }
0x60: {  	[tilespmem:s7+$0x5C10] =	vst v5;
	v2 =	vmul.f32 $1.131370830e+01, v2  }
0x61: {  	[tilespmem:s7+$0x5C20] =	vst v4;
	v0 =	vmul.f32 $1.131370830e+01, v0  }
0x62: {  	[tilespmem:s7+$0x5C30] =	vst v2;
	v1 =	vmul.f32 $1.131370830e+01, v1  }
0x63: {  	[tilespmem:s7+$0x5C40] =	vst v0;
	v0 =	vmul.f32 $1.131370830e+01, v3  }
0x64: {  	s5 =	sadd.s32 s8, s24;
	[tilespmem:s7+$0x5C50] =	vst v1;
	v1 =	vmul.f32 $1.131370830e+01, v6  }
0x65: {  	s5 =	sshrl.u32 s5, $0x3;
	[tilespmem:s7+$0x5C60] =	vst v0  }
0x66: {  	s12 =	simm.s32 $0x0;
	s5 =	sadd.s32 s2, s5;
	[tilespmem:s7+$0x5C70] =	vst v1  }
0x67: {  	[hbm4b:s5+s12] =	stream.linear.scatter [tilespmem:s19], [sflag:$0x7], $0x4000, $0x38;
	[tilespmem:$0x15C00] =	vst v63  }
0x68: {  	_ =	swait.ge [sflag:s29], $0x4000  }
0x69: {  	[sflag:s29] =	ssyncset.done $0x0  }
0x6a: {  	s7 =	simm.s32 $0x0;
	[sflag:s29] =	ssyncadd.s32 $0xFFFFC000  }
0x6b: {  	v3 =	vld [tilespmem:s7+$0x9C00]  }
0x6c: {  	v5 =	vld [tilespmem:s7+$0x9C10]  }
0x6d: {  	v4 =	vld [tilespmem:s7+$0x9C20]  }
0x6e: {  	v2 =	vld [tilespmem:s7+$0x9C30]  }
0x6f: {  	v0 =	vld [tilespmem:s7+$0x9C40]  }
0x70: {  	v1 =	vld [tilespmem:s7+$0x9C50];
	v6 =	vmul.f32 $1.131370830e+01, v3  }
0x71: {  	s12 =	simm.s32 $0x200;
	v5 =	vmul.f32 $1.131370830e+01, v5;
	v3 =	vld [tilespmem:s7+$0x9C60]  }
.LBB2_7:
0x72: {  	s5 =	sshra.s32 s12, $0x2;
	p0 =	sne.s32 s12, $0xFE00;
	[tilespmem:s7+$0x9C00] =	vst v6;
	v4 =	vmul.f32 $1.131370830e+01, v4;
	v6 =	vld [tilespmem:s7+$0x9C70]  }
0x73: {  	v7 =	vld [tilespmem:s5+$0x9C00];
	[tilespmem:s7+$0x9C10] =	vst v5;
	v2 =	vmul.f32 $1.131370830e+01, v2  }
0x74: {  	v5 =	vld [tilespmem:s5+$0x9C10];
	[tilespmem:s7+$0x9C20] =	vst v4;
	v0 =	vmul.f32 $1.131370830e+01, v0  }
.Ltmp4:
0x75: {  	v4 =	vld [tilespmem:s5+$0x9C20];
	[tilespmem:s7+$0x9C30] =	vst v2;
	v1 =	vmul.f32 $1.131370830e+01, v1;
	(pc) =	sbr.rel @p0 .LBB2_7-.Ltmp4, $4  }
0x76: {  	v2 =	vld [tilespmem:s5+$0x9C30];
	[tilespmem:s7+$0x9C40] =	vst v0;
	v3 =	vmul.f32 $1.131370830e+01, v3  }
0x77: {  	v0 =	vld [tilespmem:s5+$0x9C40];
	[tilespmem:s7+$0x9C50] =	vst v1;
	v8 =	vmul.f32 $1.131370830e+01, v6  }
0x78: {  	v6 =	vmul.f32 $1.131370830e+01, v7;
	v1 =	vld [tilespmem:s5+$0x9C50];
	[tilespmem:s7+$0x9C60] =	vst v3  }
0x79: {  	s12 =	sadd.s32 $0x200, s12;
	v5 =	vmul.f32 $1.131370830e+01, v5;
	v3 =	vld [tilespmem:s5+$0x9C60];
	[tilespmem:s7+$0x9C70] =	vst v8;
	s7 =	smov.u32 s5  }
0x7a: {  	[tilespmem:s7+$0x9C00] =	vst v6;
	v4 =	vmul.f32 $1.131370830e+01, v4;
	v6 =	vld [tilespmem:s7+$0x9C70]  }
0x7b: {  	[tilespmem:s7+$0x9C10] =	vst v5;
	v2 =	vmul.f32 $1.131370830e+01, v2  }
0x7c: {  	[tilespmem:s7+$0x9C20] =	vst v4;
	v0 =	vmul.f32 $1.131370830e+01, v0  }
0x7d: {  	[tilespmem:s7+$0x9C30] =	vst v2;
	v1 =	vmul.f32 $1.131370830e+01, v1  }
0x7e: {  	[tilespmem:s7+$0x9C40] =	vst v0;
	v0 =	vmul.f32 $1.131370830e+01, v3  }
0x7f: {  	s5 =	sadd.s32 s9, s24;
	[tilespmem:s7+$0x9C50] =	vst v1;
	v1 =	vmul.f32 $1.131370830e+01, v6  }
0x80: {  	s5 =	sshrl.u32 s5, $0x3;
	[tilespmem:s7+$0x9C60] =	vst v0  }
0x81: {  	s12 =	simm.s32 $0x0;
	s5 =	sadd.s32 s2, s5;
	[tilespmem:s7+$0x9C70] =	vst v1  }
0x82: {  	[hbm4b:s5+s12] =	stream.linear.scatter [tilespmem:s21], [sflag:$0x8], $0x4000, $0x38;
	[tilespmem:$0x15C00] =	vst v63  }
0x83: {  	_ =	swait.ge [sflag:s30], $0x4000  }
0x84: {  	[sflag:s30] =	ssyncset.done $0x0  }
0x85: {  	s7 =	simm.s32 $0x0;
	[sflag:s30] =	ssyncadd.s32 $0xFFFFC000  }
0x86: {  	v3 =	vld [tilespmem:s7+$0xDC00]  }
0x87: {  	v5 =	vld [tilespmem:s7+$0xDC10]  }
0x88: {  	v4 =	vld [tilespmem:s7+$0xDC20]  }
0x89: {  	v2 =	vld [tilespmem:s7+$0xDC30]  }
0x8a: {  	v0 =	vld [tilespmem:s7+$0xDC40]  }
0x8b: {  	v1 =	vld [tilespmem:s7+$0xDC50];
	v6 =	vmul.f32 $1.131370830e+01, v3  }
0x8c: {  	s12 =	simm.s32 $0x200;
	v5 =	vmul.f32 $1.131370830e+01, v5;
	v3 =	vld [tilespmem:s7+$0xDC60]  }
.LBB2_9:
0x8d: {  	s5 =	sshra.s32 s12, $0x2;
	p0 =	sne.s32 s12, $0xFE00;
	[tilespmem:s7+$0xDC00] =	vst v6;
	v4 =	vmul.f32 $1.131370830e+01, v4;
	v6 =	vld [tilespmem:s7+$0xDC70]  }
0x8e: {  	v7 =	vld [tilespmem:s5+$0xDC00];
	[tilespmem:s7+$0xDC10] =	vst v5;
	v2 =	vmul.f32 $1.131370830e+01, v2  }
0x8f: {  	v5 =	vld [tilespmem:s5+$0xDC10];
	[tilespmem:s7+$0xDC20] =	vst v4;
	v0 =	vmul.f32 $1.131370830e+01, v0  }
.Ltmp5:
0x90: {  	v4 =	vld [tilespmem:s5+$0xDC20];
	[tilespmem:s7+$0xDC30] =	vst v2;
	v1 =	vmul.f32 $1.131370830e+01, v1;
	(pc) =	sbr.rel @p0 .LBB2_9-.Ltmp5, $4  }
0x91: {  	v2 =	vld [tilespmem:s5+$0xDC30];
	[tilespmem:s7+$0xDC40] =	vst v0;
	v3 =	vmul.f32 $1.131370830e+01, v3  }
0x92: {  	v0 =	vld [tilespmem:s5+$0xDC40];
	[tilespmem:s7+$0xDC50] =	vst v1;
	v8 =	vmul.f32 $1.131370830e+01, v6  }
0x93: {  	v6 =	vmul.f32 $1.131370830e+01, v7;
	v1 =	vld [tilespmem:s5+$0xDC50];
	[tilespmem:s7+$0xDC60] =	vst v3  }
0x94: {  	s12 =	sadd.s32 $0x200, s12;
	v5 =	vmul.f32 $1.131370830e+01, v5;
	v3 =	vld [tilespmem:s5+$0xDC60];
	[tilespmem:s7+$0xDC70] =	vst v8;
	s7 =	smov.u32 s5  }
0x95: {  	[tilespmem:s7+$0xDC00] =	vst v6;
	v4 =	vmul.f32 $1.131370830e+01, v4;
	v6 =	vld [tilespmem:s7+$0xDC70]  }
0x96: {  	[tilespmem:s7+$0xDC10] =	vst v5;
	v2 =	vmul.f32 $1.131370830e+01, v2  }
0x97: {  	[tilespmem:s7+$0xDC20] =	vst v4;
	v0 =	vmul.f32 $1.131370830e+01, v0  }
0x98: {  	[tilespmem:s7+$0xDC30] =	vst v2;
	v1 =	vmul.f32 $1.131370830e+01, v1  }
0x99: {  	[tilespmem:s7+$0xDC40] =	vst v0;
	v0 =	vmul.f32 $1.131370830e+01, v3  }
0x9a: {  	s5 =	sadd.s32 s10, s24;
	[tilespmem:s7+$0xDC50] =	vst v1;
	v1 =	vmul.f32 $1.131370830e+01, v6  }
0x9b: {  	s5 =	sshrl.u32 s5, $0x3;
	[tilespmem:s7+$0xDC60] =	vst v0  }
0x9c: {  	s12 =	simm.s32 $0x0;
	s5 =	sadd.s32 s2, s5;
	[tilespmem:s7+$0xDC70] =	vst v1  }
0x9d: {  	[hbm4b:s5+s12] =	stream.linear.scatter [tilespmem:s23], [sflag:$0x9], $0x4000, $0x38;
	[tilespmem:$0x15C00] =	vst v63  }
0x9e: {  	_ =	swait.ge [sflag:s31], $0x4000  }
0x9f: {  	[sflag:s31] =	ssyncset.done $0x0  }
0xa0: {  	s7 =	simm.s32 $0x0;
	[sflag:s31] =	ssyncadd.s32 $0xFFFFC000  }
0xa1: {  	v3 =	vld [tilespmem:s7+$0x11C00]  }
0xa2: {  	v5 =	vld [tilespmem:s7+$0x11C10]  }
0xa3: {  	v4 =	vld [tilespmem:s7+$0x11C20]  }
0xa4: {  	v2 =	vld [tilespmem:s7+$0x11C30]  }
0xa5: {  	v0 =	vld [tilespmem:s7+$0x11C40]  }
0xa6: {  	v1 =	vld [tilespmem:s7+$0x11C50];
	v6 =	vmul.f32 $1.131370830e+01, v3  }
0xa7: {  	s12 =	simm.s32 $0x200;
	v5 =	vmul.f32 $1.131370830e+01, v5;
	v3 =	vld [tilespmem:s7+$0x11C60]  }
.LBB2_11:
0xa8: {  	s5 =	sshra.s32 s12, $0x2;
	p0 =	sne.s32 s12, $0xFE00;
	[tilespmem:s7+$0x11C00] =	vst v6;
	v4 =	vmul.f32 $1.131370830e+01, v4;
	v6 =	vld [tilespmem:s7+$0x11C70]  }
0xa9: {  	v7 =	vld [tilespmem:s5+$0x11C00];
	[tilespmem:s7+$0x11C10] =	vst v5;
	v2 =	vmul.f32 $1.131370830e+01, v2  }
0xaa: {  	v5 =	vld [tilespmem:s5+$0x11C10];
	[tilespmem:s7+$0x11C20] =	vst v4;
	v0 =	vmul.f32 $1.131370830e+01, v0  }
.Ltmp6:
0xab: {  	v4 =	vld [tilespmem:s5+$0x11C20];
	[tilespmem:s7+$0x11C30] =	vst v2;
	v1 =	vmul.f32 $1.131370830e+01, v1;
	(pc) =	sbr.rel @p0 .LBB2_11-.Ltmp6, $4  }
0xac: {  	v2 =	vld [tilespmem:s5+$0x11C30];
	[tilespmem:s7+$0x11C40] =	vst v0;
	v3 =	vmul.f32 $1.131370830e+01, v3  }
0xad: {  	v0 =	vld [tilespmem:s5+$0x11C40];
	[tilespmem:s7+$0x11C50] =	vst v1;
	v8 =	vmul.f32 $1.131370830e+01, v6  }
0xae: {  	v6 =	vmul.f32 $1.131370830e+01, v7;
	v1 =	vld [tilespmem:s5+$0x11C50];
	[tilespmem:s7+$0x11C60] =	vst v3  }
0xaf: {  	s12 =	sadd.s32 $0x200, s12;
	v5 =	vmul.f32 $1.131370830e+01, v5;
	v3 =	vld [tilespmem:s5+$0x11C60];
	[tilespmem:s7+$0x11C70] =	vst v8;
	s7 =	smov.u32 s5  }
0xb0: {  	[tilespmem:s7+$0x11C00] =	vst v6;
	v4 =	vmul.f32 $1.131370830e+01, v4;
	v61 =	vld [tilespmem:s7+$0x11C70]  }
0xb1: {  	[tilespmem:s7+$0x11C10] =	vst v5;
	v2 =	vmul.f32 $1.131370830e+01, v2  }
0xb2: {  	[tilespmem:s7+$0x11C20] =	vst v4;
	v0 =	vmul.f32 $1.131370830e+01, v0  }
0xb3: {  	[tilespmem:s7+$0x11C30] =	vst v2;
	v1 =	vmul.f32 $1.131370830e+01, v1  }
0xb4: {  	[tilespmem:s7+$0x11C40] =	vst v0;
	v62 =	vmul.f32 $1.131370830e+01, v3  }
0xb5: {  	s5 =	sadd.s32 s11, s24;
	[tilespmem:s7+$0x11C50] =	vst v1;
	v63 =	vmul.f32 $1.131370830e+01, v61  }
0xb6: {  	p0 =	seq.s32 s22, $0x9;
	s5 =	sshrl.u32 s5, $0x3;
	[tilespmem:s7+$0x11C60] =	vst v62  }
.Ltmp7:
0xb7: {  	s5 =	sadd.s32 s2, s5;
	[tilespmem:s7+$0x11C70] =	vst v63;
	(pc) =	sbr.rel @p0 .LBB2_14-.Ltmp7, $4  }
0xb8: {  	[hbm4b:s5+s4] =	stream.linear.scatter [tilespmem:s25], [sflag:$0xA], $0x4000, $0x38;
	[tilespmem:$0x15C00] =	vst v63  }
0xb9: {  	_ =	swait.ge [sflag:s0], $0x4000  }
0xba: {  	[sflag:s0] =	ssyncset.done $0x0  }
0xbb: {  	[sflag:s0] =	ssyncadd.s32 $0xFFFFC000  }
0xbc: {  	s5 =	smul.u32 $0xA00, s22;
	_ =	sdelay $0x1  }
0xbd: {  	s5 =	sshra.s32 s5, $0x2  }
0xbe: {  	s7 =	sadd.s32 $0x280, s5  }
0xbf: {  	[tilespmem:s18], [sflag:$0x1] =	stream.indirect.gather [hbm4b:s1+s17], $0x80, s7, s17, $0xb8;
	[tilespmem:$0x15C00] =	vst v63  }
0xc0: {  	_ =	swait.ge [sflag:s3], $0x4000  }
0xc1: {  	[sflag:s3] =	ssyncset.done $0x0  }
0xc2: {  	s24 =	sadd.s32 $0x300, s5;
	[sflag:s3] =	ssyncadd.s32 $0xFFFFC000  }
0xc3: {  	[tilespmem:s19], [sflag:$0x2] =	stream.indirect.gather [hbm4b:s1+s17], $0x80, s24, s17, $0xb8;
	[tilespmem:$0x15C00] =	vst v63  }
0xc4: {  	_ =	swait.ge [sflag:s13], $0x4000  }
0xc5: {  	[sflag:s13] =	ssyncset.done $0x0  }
0xc6: {  	s12 =	sadd.s32 $0x380, s5;
	[sflag:s13] =	ssyncadd.s32 $0xFFFFC000  }
0xc7: {  	[tilespmem:s21], [sflag:$0x3] =	stream.indirect.gather [hbm4b:s1+s17], $0x80, s12, s17, $0xb8;
	[tilespmem:$0x15C00] =	vst v63  }
0xc8: {  	_ =	swait.ge [sflag:s14], $0x4000  }
0xc9: {  	[sflag:s14] =	ssyncset.done $0x0  }
0xca: {  	s24 =	sadd.s32 $0x400, s5;
	[sflag:s14] =	ssyncadd.s32 $0xFFFFC000  }
0xcb: {  	[tilespmem:s23], [sflag:$0x4] =	stream.indirect.gather [hbm4b:s1+s17], $0x80, s24, s17, $0xb8;
	[tilespmem:$0x15C00] =	vst v63  }
.Ltmp8:
0xcc: {  	_ = 	snop;
	(pc) =	sbr.rel .LBB2_2-.Ltmp8, $4  }
0xcd: {  	_ =	swait.ge [sflag:s15], $0x4000  }
0xce: {  	[sflag:s15] =	ssyncset.done $0x0  }
0xcf: {  	s22 =	sadd.s32 $0x1, s22;
	s5 =	sadd.s32 $0x480, s5;
	[sflag:s15] =	ssyncadd.s32 $0xFFFFC000  }
0xd0: {  	[tilespmem:s25], [sflag:$0x5] =	stream.indirect.gather [hbm4b:s1+s17], $0x80, s5, s17, $0xb8;
	[tilespmem:$0x15C00] =	vst v63  }
.LBB2_15:
0xd1: {  	_ =	sfence.sel $0x180000  }
0xd2: {  	[bflag:$0x0] =	sbarrier.arrive $0xFFFF  }
0xd3: {  	_ =	strace $0x90000047  }
0xd4: {  	s0 =	stileid.u32;
	[bflag:$0x2] =	sbarrier.arrive $0xFFFF  }
0xd5: {  	p0 =	sne.s32 s0, $0x0;
	s0 =	rddreg [dreg:$0x3]  }
0xd6: {  	s0 =	sadd.s32 @!p0 $0x100000, s0  }
0xd7: {  	[sflag:s0] =	ssyncadd.tile.s32 @!p0 $0x1;
	_ =	shalt  }
.Lfunc_end2:
_tile_overlayer_lowered:
.L_overlay_start_2:
0xd8: {  	(tag) =	ssettag $0x2  }
0xd9: {  	s0 =	rddreg [dreg:$0x0];
	s2 =	stileid.u32  }
0xda: {  	s1 =	rddreg [dreg:$0x1];
	p0 =	sne.s32 s2, $0x0  }
0xdb: {  	s3 =	rddreg [dreg:$0x2];
	[bflag:$0x3] =	sbarrier.arrive $0xFFFF;
	s2 =	simm.s32 @!p0 $0x1C0B  }
0xdc: {  	[timem:s3], [sflag:s2] =	dma.local @!p0 [hbm:s0], s1  }
0xdd: {  	s0 =	simm.s32 @!p0 $0xB  }
0xde: {  	_ =	swait.ge @!p0 [sflag:s0], s1  }
0xdf: {  	s1 =	ssub.s32 @!p0 $0x0, s1;
	[sflag:s0] =	ssyncset.done @!p0 $0x0  }
0xe0: {  	[sflag:s0] =	ssyncadd.s32 @!p0 s1  }
0xe1: {  	[bflag:$0x3] =	sbarrier.arrive $0xFFFF  }
0xe2: {  	_ =	shalt  }

</sc_bundles>
